<compile_context>
chip_gen: v7x
topology: tpu7x:2x2x1
jax: 0.10.2.dev20260603
libtpu: 0.0.44.dev20260713+nightly
codegen_flags: <defaults>
</compile_context>

<pallas_src>
import functools

import jax
import jax.numpy as jnp
from jax import lax
from jax.experimental import pallas as pl
from jax.experimental.pallas import tpu as pltpu
from jax.experimental.pallas import tpu_sc as plsc

_BASE_ALPHA = 0.05
_CHUNK = 512


def _dist_chunk(src_ref, c, part, k2, iota_m, m):
    q = src_ref[0, pl.ds(c * _CHUNK, _CHUNK), :]
    qk = lax.dot_general(-2.0 * q, part, (((1,), (1,)), ((), ())),
                         preferred_element_type=jnp.float32)
    s = qk + k2
    mn = jnp.min(s, axis=1, keepdims=True)
    idx = jnp.min(jnp.where(s <= mn, iota_m, float(m)), axis=1,
                  keepdims=True)
    q2 = jnp.sum(q * q, axis=1, keepdims=True)
    return mn + q2, idx


def _k1_body(pred_ref, partial_ref, idx_ref, mind2_ref):
    m = partial_ref.shape[1]
    n_chunks = pred_ref.shape[1] // _CHUNK
    b = pl.program_id(0)
    part = partial_ref[0]
    k2 = jnp.sum(part * part, axis=1)[None, :]
    iota_m = lax.broadcasted_iota(jnp.int32, (_CHUNK, m), 1).astype(jnp.float32)
    for c in range(n_chunks):
        mind2, idx = _dist_chunk(pred_ref, c, part, k2, iota_m, m)
        idx_ref[0, 0, pl.ds(c * _CHUNK, _CHUNK)] = (
            idx.astype(jnp.int32) + b * m).reshape(_CHUNK)
        mind2_ref[0, :, c:c + 1] = mind2


def _update_chunk(src_ref, near_ref, mind2_ref, out_ref, c, denom):
    q = src_ref[0, pl.ds(c * _CHUNK, _CHUNK), :]
    nearest = near_ref[0, pl.ds(c * _CHUNK, _CHUNK), :]
    mind = jnp.sqrt(jnp.maximum(mind2_ref[0, :, c:c + 1], 1e-12))
    alpha = _BASE_ALPHA * (2.0 - mind / denom)
    r = q + alpha * (nearest - q)
    out_ref[0, pl.ds(c * _CHUNK, _CHUNK), :] = r
    return r


def _k2_body(pred_ref, partial_ref, near_ref, mind2in_ref,
             refined_ref, idx_ref, mind2_ref):
    m = partial_ref.shape[1]
    n_chunks = pred_ref.shape[1] // _CHUNK
    b = pl.program_id(0)
    part = partial_ref[0]
    k2 = jnp.sum(part * part, axis=1)[None, :]
    iota_m = lax.broadcasted_iota(jnp.int32, (_CHUNK, m), 1).astype(jnp.float32)
    denom = jnp.sqrt(jnp.maximum(jnp.max(mind2in_ref[0]), 1e-12)) + 1e-6
    for c in range(n_chunks):
        _update_chunk(pred_ref, near_ref, mind2in_ref, refined_ref, c, denom)
    for c in range(n_chunks):
        mind2, idx = _dist_chunk(refined_ref, c, part, k2, iota_m, m)
        idx_ref[0, 0, pl.ds(c * _CHUNK, _CHUNK)] = (
            idx.astype(jnp.int32) + b * m).reshape(_CHUNK)
        mind2_ref[0, :, c:c + 1] = mind2


def _k3_body(refined_ref, near_ref, mind2in_ref, out_ref):
    n_chunks = refined_ref.shape[1] // _CHUNK
    denom = jnp.sqrt(jnp.maximum(jnp.max(mind2in_ref[0]), 1e-12)) + 1e-6
    for c in range(n_chunks):
        _update_chunk(refined_ref, near_ref, mind2in_ref, out_ref, c, denom)


_ROWW = 128


def _make_sc_gather(total_rows):
    info = plsc.get_sparse_core_info()
    nw = info.num_cores * info.num_subcores
    rows_per_w = total_rows // nw
    idx_rows = rows_per_w // _ROWW
    mesh = plsc.VectorSubcoreMesh(core_axis_name="c", subcore_axis_name="s")

    @functools.partial(
        pl.kernel, mesh=mesh,
        out_type=jax.ShapeDtypeStruct((total_rows, _ROWW), jnp.float32),
        scratch_types=[
            pltpu.VMEM((idx_rows, _ROWW), jnp.int32),
            pltpu.VMEM((rows_per_w, _ROWW), jnp.float32),
            pltpu.SemaphoreType.DMA,
        ],
    )
    def gather_k(table_hbm, idx_hbm, out_hbm, idx_v, rows_v, sem):
        wid = lax.axis_index("s") * info.num_cores + lax.axis_index("c")
        pltpu.sync_copy(idx_hbm.at[pl.ds(wid * idx_rows, idx_rows)], idx_v)
        copies = [
            pltpu.async_copy(
                table_hbm.at[idx_v.at[j]],
                rows_v.at[pl.ds(j * _ROWW, _ROWW)], sem)
            for j in range(idx_rows)
        ]
        for cp in copies:
            cp.wait()
        pltpu.sync_copy(rows_v, out_hbm.at[pl.ds(wid * rows_per_w, rows_per_w)])

    return gather_k


@jax.jit
def kernel(pred, partial):
    b, n, d = pred.shape
    _, m, _ = partial.shape
    n_chunks = n // _CHUNK
    grid_b = (b,)
    spec_nd = pl.BlockSpec((1, n, d), lambda i: (i, 0, 0))
    spec_md = pl.BlockSpec((1, m, d), lambda i: (i, 0, 0))
    spec_scr = pl.BlockSpec((1, _CHUNK, n_chunks), lambda i: (i, 0, 0))
    spec_idx = pl.BlockSpec((1, 1, n), lambda i: (i, 0, 0))
    cp = pltpu.CompilerParams(dimension_semantics=("arbitrary",))

    idx1, mind2_1 = pl.pallas_call(
        _k1_body, grid=grid_b,
        in_specs=[spec_nd, spec_md],
        out_specs=[spec_idx, spec_scr],
        out_shape=[
            jax.ShapeDtypeStruct((b, 1, n), jnp.int32),
            jax.ShapeDtypeStruct((b, _CHUNK, n_chunks), jnp.float32),
        ],
        compiler_params=cp,
    )(pred, partial)

    table = jnp.pad(partial.reshape(b * m, d), ((0, 0), (0, _ROWW - d)))
    gather = _make_sc_gather(b * n)
    idx2d_1 = idx1.reshape(b * n // _ROWW, _ROWW)
    near1 = gather(table, idx2d_1)[:, :d].reshape(b, n, d)

    refined1, idx2, mind2_2 = pl.pallas_call(
        _k2_body, grid=grid_b,
        in_specs=[spec_nd, spec_md, spec_nd, spec_scr],
        out_specs=[spec_nd, spec_idx, spec_scr],
        out_shape=[
            jax.ShapeDtypeStruct((b, n, d), jnp.float32),
            jax.ShapeDtypeStruct((b, 1, n), jnp.int32),
            jax.ShapeDtypeStruct((b, _CHUNK, n_chunks), jnp.float32),
        ],
        compiler_params=cp,
    )(pred, partial, near1, mind2_1)

    idx2d_2 = idx2.reshape(b * n // _ROWW, _ROWW)
    near2 = gather(table, idx2d_2)[:, :d].reshape(b, n, d)

    out = pl.pallas_call(
        _k3_body, grid=grid_b,
        in_specs=[spec_nd, spec_nd, spec_scr],
        out_specs=spec_nd,
        out_shape=jax.ShapeDtypeStruct((b, n, d), jnp.float32),
        compiler_params=cp,
    )(refined1, near2, mind2_2)
    return out

# --- scband reference (transcript-rebuilt; emitter-appended) ---
"""Pipeline reference for scband-ipgr-5703716569302 (READ-ONLY COPY).

The authoritative reference and input builder live on the scoring server;
editing this copy changes nothing except your own understanding.
"""

import jax, jax.numpy as jnp
import numpy as np

BASE_ALPHA = 0.05
NUM_ITER = 2


def setup_inputs(seed: int = 0) -> dict:
    key = jax.random.key(seed)
    k1, k2 = jax.random.split(key)
    pred = jax.random.normal(k1, (4, 4096, 32), dtype=jnp.float32)
    partial = jax.random.normal(k2, (4, 2048, 32), dtype=jnp.float32)
    return {"pred": pred, "partial": partial}


def _cdist(a, b):
    # Batched Euclidean distance, equivalent to torch.cdist(a, b) with p=2.
    a2 = jnp.sum(a * a, axis=-1)
    b2 = jnp.sum(b * b, axis=-1)
    d2 = a2[..., :, None] + b2[..., None, :] - 2.0 * jnp.einsum('bnd,bmd->bnm', a, b)
    return jnp.sqrt(jnp.maximum(d2, 1e-12))


def reference(pred, partial):
    refined = pred
    for _ in range(NUM_ITER):
        dist = _cdist(refined, partial)                      # [B, N, M]
        min_dist = jnp.min(dist, axis=-1)                    # [B, N]
        min_idx = jnp.argmin(dist, axis=-1)                  # [B, N]
        # nearest = partial[batch_idx, min_idx] -> gather along point axis
        nearest = jnp.take_along_axis(partial, min_idx[..., None], axis=1)  # [B, N, d]
        dist_norm = min_dist / (jnp.max(min_dist, axis=-1, keepdims=True) + 1e-06)
        alpha = BASE_ALPHA * (2.0 - dist_norm)               # [B, N]
        refined = refined + alpha[..., None] * (nearest - refined)
    return refined

if __name__ == "__main__":
    import jax
    _d = setup_inputs()
    print(jax.jit(kernel)(*tuple(_d.values())))

</pallas_src>

<mosaic_0001>
#map = affine_map<(d0, d1) -> (0, 0)>
module attributes {stable_mosaic.version = 14 : i64} {
  func.func @gather_k(%arg0: i32, %arg1: i32, %arg2: memref<8192x128xf32, #tpu.memory_space<hbm>>, %arg3: memref<128x128xi32, #tpu.memory_space<hbm>>, %arg4: memref<16384x128xf32, #tpu.memory_space<hbm>>, %arg5: memref<4x128xi32, #tpu.memory_space<vmem>>, %arg6: memref<512x128xf32, #tpu.memory_space<vmem>>, %arg7: memref<!tpu.dma_semaphore, #tpu.memory_space<semaphore_mem>>) attributes {dimension_semantics = [#tpu.dimension_semantics<core_parallel>, #tpu.dimension_semantics<subcore_parallel>], iteration_bounds = array<i64: 2, 16>, scalar_prefetch = 0 : i64, scratch_operands = 3 : i64, tpu.core_type = #tpu.core_type<sc_vector_subcore>, window_params = [{transform_indices = #map}, {transform_indices = #map}, {transform_indices = #map}]} {
    %mul3A = arith.constant 2 : i32
    %mul3A_0 = arith.muli %arg1, %mul3A : i32
    %add3A = arith.addi %mul3A_0, %arg0 : i32
    %mul3A_1 = arith.constant 4 : i32
    %mul3A_2 = arith.muli %add3A, %mul3A_1 : i32
    "tpu.region"() ({
      %run_scoped3A = tpu.sem_alloc : memref<!tpu.dma_semaphore, #tpu.memory_space<semaphore_mem>>
      %dma_start3A_83 = arith.constant 0 : i32
      %dma_start3A_84 = tpu.memref_slice %arg3[%mul3A_2, %dma_start3A_83] : memref<128x128xi32, #tpu.memory_space<hbm>> -> memref<4x128xi32, #tpu.memory_space<hbm>>
      %dma_start3A_85 = arith.constant 0 : i32
      %dma_start3A_86 = tpu.memref_slice %arg3[%mul3A_2, %dma_start3A_85] : memref<128x128xi32, #tpu.memory_space<hbm>> -> memref<4x128xi32, #tpu.memory_space<hbm>>
      tpu.enqueue_dma source(%dma_start3A_86 : memref<4x128xi32, #tpu.memory_space<hbm>>) target(%arg5 : memref<4x128xi32, #tpu.memory_space<vmem>>) target_semaphore(%run_scoped3A : memref<!tpu.dma_semaphore, #tpu.memory_space<semaphore_mem>>)
      %dma_wait3A_87 = arith.constant 0 : i32
      %dma_wait3A_88 = tpu.memref_slice %arg3[%mul3A_2, %dma_wait3A_87] : memref<128x128xi32, #tpu.memory_space<hbm>> -> memref<4x128xi32, #tpu.memory_space<hbm>>
      %dma_wait3A_89 = arith.constant 0 : i32
      %dma_wait3A_90 = tpu.memref_slice %arg3[%mul3A_2, %dma_wait3A_89] : memref<128x128xi32, #tpu.memory_space<hbm>> -> memref<4x128xi32, #tpu.memory_space<hbm>>
      tpu.wait_dma2 semaphore(%run_scoped3A : memref<!tpu.dma_semaphore, #tpu.memory_space<semaphore_mem>>) src(%dma_wait3A_90 : memref<4x128xi32, #tpu.memory_space<hbm>>) dst(%arg5 : memref<4x128xi32, #tpu.memory_space<vmem>>)
      tpu.yield
    }) : () -> ()
    %dma_start3A = arith.constant 0 : i32
    %dma_start3A_3 = arith.constant 0 : i32
    %dma_start3A_4 = arith.constant 0 : i32
    %dma_start3A_5 = tpu.memref_slice %arg6[%dma_start3A_3, %dma_start3A_4] : memref<512x128xf32, #tpu.memory_space<vmem>> -> memref<128x128xf32, #tpu.memory_space<vmem>>
    %dma_start3A_6 = arith.constant 0 : i32
    %dma_start3A_7 = tpu.memref_slice %arg5[%dma_start3A, %dma_start3A_6] : memref<4x128xi32, #tpu.memory_space<vmem>> -> memref<1x128xi32, #tpu.memory_space<vmem>>
    %dma_start3A_8 = tpu.memref_squeeze %dma_start3A_7 : memref<1x128xi32, #tpu.memory_space<vmem>> -> memref<128xi32, #tpu.memory_space<vmem>>
    %dma_start3A_9 = arith.constant 0 : i32
    %dma_start3A_10 = arith.constant 0 : i32
    %dma_start3A_11 = tpu.memref_slice %arg2[%dma_start3A_9, %dma_start3A_10] : memref<8192x128xf32, #tpu.memory_space<hbm>> -> memref<8192x128xf32, #tpu.memory_space<hbm>>
    tpu.enqueue_indirect_dma source(%dma_start3A_11 : memref<8192x128xf32, #tpu.memory_space<hbm>>) target(%dma_start3A_5 : memref<128x128xf32, #tpu.memory_space<vmem>>) offsets(%dma_start3A_8 : memref<128xi32, #tpu.memory_space<vmem>>) semaphore(%arg7 : memref<!tpu.dma_semaphore, #tpu.memory_space<semaphore_mem>>)
    %dma_start3A_12 = arith.constant 1 : i32
    %dma_start3A_13 = arith.constant 128 : i32
    %dma_start3A_14 = arith.constant 0 : i32
    %dma_start3A_15 = tpu.memref_slice %arg6[%dma_start3A_13, %dma_start3A_14] : memref<512x128xf32, #tpu.memory_space<vmem>> -> memref<128x128xf32, #tpu.memory_space<vmem>>
    %dma_start3A_16 = arith.constant 0 : i32
    %dma_start3A_17 = tpu.memref_slice %arg5[%dma_start3A_12, %dma_start3A_16] : memref<4x128xi32, #tpu.memory_space<vmem>> -> memref<1x128xi32, #tpu.memory_space<vmem>>
    %dma_start3A_18 = tpu.memref_squeeze %dma_start3A_17 : memref<1x128xi32, #tpu.memory_space<vmem>> -> memref<128xi32, #tpu.memory_space<vmem>>
    %dma_start3A_19 = arith.constant 0 : i32
    %dma_start3A_20 = arith.constant 0 : i32
    %dma_start3A_21 = tpu.memref_slice %arg2[%dma_start3A_19, %dma_start3A_20] : memref<8192x128xf32, #tpu.memory_space<hbm>> -> memref<8192x128xf32, #tpu.memory_space<hbm>>
    tpu.enqueue_indirect_dma source(%dma_start3A_21 : memref<8192x128xf32, #tpu.memory_space<hbm>>) target(%dma_start3A_15 : memref<128x128xf32, #tpu.memory_space<vmem>>) offsets(%dma_start3A_18 : memref<128xi32, #tpu.memory_space<vmem>>) semaphore(%arg7 : memref<!tpu.dma_semaphore, #tpu.memory_space<semaphore_mem>>)
    %dma_start3A_22 = arith.constant 2 : i32
    %dma_start3A_23 = arith.constant 256 : i32
    %dma_start3A_24 = arith.constant 0 : i32
    %dma_start3A_25 = tpu.memref_slice %arg6[%dma_start3A_23, %dma_start3A_24] : memref<512x128xf32, #tpu.memory_space<vmem>> -> memref<128x128xf32, #tpu.memory_space<vmem>>
    %dma_start3A_26 = arith.constant 0 : i32
    %dma_start3A_27 = tpu.memref_slice %arg5[%dma_start3A_22, %dma_start3A_26] : memref<4x128xi32, #tpu.memory_space<vmem>> -> memref<1x128xi32, #tpu.memory_space<vmem>>
    %dma_start3A_28 = tpu.memref_squeeze %dma_start3A_27 : memref<1x128xi32, #tpu.memory_space<vmem>> -> memref<128xi32, #tpu.memory_space<vmem>>
    %dma_start3A_29 = arith.constant 0 : i32
    %dma_start3A_30 = arith.constant 0 : i32
    %dma_start3A_31 = tpu.memref_slice %arg2[%dma_start3A_29, %dma_start3A_30] : memref<8192x128xf32, #tpu.memory_space<hbm>> -> memref<8192x128xf32, #tpu.memory_space<hbm>>
    tpu.enqueue_indirect_dma source(%dma_start3A_31 : memref<8192x128xf32, #tpu.memory_space<hbm>>) target(%dma_start3A_25 : memref<128x128xf32, #tpu.memory_space<vmem>>) offsets(%dma_start3A_28 : memref<128xi32, #tpu.memory_space<vmem>>) semaphore(%arg7 : memref<!tpu.dma_semaphore, #tpu.memory_space<semaphore_mem>>)
    %dma_start3A_32 = arith.constant 3 : i32
    %dma_start3A_33 = arith.constant 384 : i32
    %dma_start3A_34 = arith.constant 0 : i32
    %dma_start3A_35 = tpu.memref_slice %arg6[%dma_start3A_33, %dma_start3A_34] : memref<512x128xf32, #tpu.memory_space<vmem>> -> memref<128x128xf32, #tpu.memory_space<vmem>>
    %dma_start3A_36 = arith.constant 0 : i32
    %dma_start3A_37 = tpu.memref_slice %arg5[%dma_start3A_32, %dma_start3A_36] : memref<4x128xi32, #tpu.memory_space<vmem>> -> memref<1x128xi32, #tpu.memory_space<vmem>>
    %dma_start3A_38 = tpu.memref_squeeze %dma_start3A_37 : memref<1x128xi32, #tpu.memory_space<vmem>> -> memref<128xi32, #tpu.memory_space<vmem>>
    %dma_start3A_39 = arith.constant 0 : i32
    %dma_start3A_40 = arith.constant 0 : i32
    %dma_start3A_41 = tpu.memref_slice %arg2[%dma_start3A_39, %dma_start3A_40] : memref<8192x128xf32, #tpu.memory_space<hbm>> -> memref<8192x128xf32, #tpu.memory_space<hbm>>
    tpu.enqueue_indirect_dma source(%dma_start3A_41 : memref<8192x128xf32, #tpu.memory_space<hbm>>) target(%dma_start3A_35 : memref<128x128xf32, #tpu.memory_space<vmem>>) offsets(%dma_start3A_38 : memref<128xi32, #tpu.memory_space<vmem>>) semaphore(%arg7 : memref<!tpu.dma_semaphore, #tpu.memory_space<semaphore_mem>>)
    %dma_wait3A = arith.constant 0 : i32
    %dma_wait3A_42 = arith.constant 0 : i32
    %dma_wait3A_43 = arith.constant 0 : i32
    %dma_wait3A_44 = tpu.memref_slice %arg6[%dma_wait3A_42, %dma_wait3A_43] : memref<512x128xf32, #tpu.memory_space<vmem>> -> memref<128x128xf32, #tpu.memory_space<vmem>>
    %dma_wait3A_45 = arith.constant 0 : i32
    %dma_wait3A_46 = tpu.memref_slice %arg5[%dma_wait3A, %dma_wait3A_45] : memref<4x128xi32, #tpu.memory_space<vmem>> -> memref<1x128xi32, #tpu.memory_space<vmem>>
    %dma_wait3A_47 = tpu.memref_squeeze %dma_wait3A_46 : memref<1x128xi32, #tpu.memory_space<vmem>> -> memref<128xi32, #tpu.memory_space<vmem>>
    %dma_wait3A_48 = arith.constant 0 : i32
    %dma_wait3A_49 = arith.constant 0 : i32
    %dma_wait3A_50 = tpu.memref_slice %arg2[%dma_wait3A_48, %dma_wait3A_49] : memref<8192x128xf32, #tpu.memory_space<hbm>> -> memref<8192x128xf32, #tpu.memory_space<hbm>>
    tpu.wait_indirect_dma semaphore(%arg7 : memref<!tpu.dma_semaphore, #tpu.memory_space<semaphore_mem>>) src(%dma_wait3A_50 : memref<8192x128xf32, #tpu.memory_space<hbm>>) dst(%dma_wait3A_44 : memref<128x128xf32, #tpu.memory_space<vmem>>)
    %dma_wait3A_51 = arith.constant 1 : i32
    %dma_wait3A_52 = arith.constant 128 : i32
    %dma_wait3A_53 = arith.constant 0 : i32
    %dma_wait3A_54 = tpu.memref_slice %arg6[%dma_wait3A_52, %dma_wait3A_53] : memref<512x128xf32, #tpu.memory_space<vmem>> -> memref<128x128xf32, #tpu.memory_space<vmem>>
    %dma_wait3A_55 = arith.constant 0 : i32
    %dma_wait3A_56 = tpu.memref_slice %arg5[%dma_wait3A_51, %dma_wait3A_55] : memref<4x128xi32, #tpu.memory_space<vmem>> -> memref<1x128xi32, #tpu.memory_space<vmem>>
    %dma_wait3A_57 = tpu.memref_squeeze %dma_wait3A_56 : memref<1x128xi32, #tpu.memory_space<vmem>> -> memref<128xi32, #tpu.memory_space<vmem>>
    %dma_wait3A_58 = arith.constant 0 : i32
    %dma_wait3A_59 = arith.constant 0 : i32
    %dma_wait3A_60 = tpu.memref_slice %arg2[%dma_wait3A_58, %dma_wait3A_59] : memref<8192x128xf32, #tpu.memory_space<hbm>> -> memref<8192x128xf32, #tpu.memory_space<hbm>>
    tpu.wait_indirect_dma semaphore(%arg7 : memref<!tpu.dma_semaphore, #tpu.memory_space<semaphore_mem>>) src(%dma_wait3A_60 : memref<8192x128xf32, #tpu.memory_space<hbm>>) dst(%dma_wait3A_54 : memref<128x128xf32, #tpu.memory_space<vmem>>)
    %dma_wait3A_61 = arith.constant 2 : i32
    %dma_wait3A_62 = arith.constant 256 : i32
    %dma_wait3A_63 = arith.constant 0 : i32
    %dma_wait3A_64 = tpu.memref_slice %arg6[%dma_wait3A_62, %dma_wait3A_63] : memref<512x128xf32, #tpu.memory_space<vmem>> -> memref<128x128xf32, #tpu.memory_space<vmem>>
    %dma_wait3A_65 = arith.constant 0 : i32
    %dma_wait3A_66 = tpu.memref_slice %arg5[%dma_wait3A_61, %dma_wait3A_65] : memref<4x128xi32, #tpu.memory_space<vmem>> -> memref<1x128xi32, #tpu.memory_space<vmem>>
    %dma_wait3A_67 = tpu.memref_squeeze %dma_wait3A_66 : memref<1x128xi32, #tpu.memory_space<vmem>> -> memref<128xi32, #tpu.memory_space<vmem>>
    %dma_wait3A_68 = arith.constant 0 : i32
    %dma_wait3A_69 = arith.constant 0 : i32
    %dma_wait3A_70 = tpu.memref_slice %arg2[%dma_wait3A_68, %dma_wait3A_69] : memref<8192x128xf32, #tpu.memory_space<hbm>> -> memref<8192x128xf32, #tpu.memory_space<hbm>>
    tpu.wait_indirect_dma semaphore(%arg7 : memref<!tpu.dma_semaphore, #tpu.memory_space<semaphore_mem>>) src(%dma_wait3A_70 : memref<8192x128xf32, #tpu.memory_space<hbm>>) dst(%dma_wait3A_64 : memref<128x128xf32, #tpu.memory_space<vmem>>)
    %dma_wait3A_71 = arith.constant 3 : i32
    %dma_wait3A_72 = arith.constant 384 : i32
    %dma_wait3A_73 = arith.constant 0 : i32
    %dma_wait3A_74 = tpu.memref_slice %arg6[%dma_wait3A_72, %dma_wait3A_73] : memref<512x128xf32, #tpu.memory_space<vmem>> -> memref<128x128xf32, #tpu.memory_space<vmem>>
    %dma_wait3A_75 = arith.constant 0 : i32
    %dma_wait3A_76 = tpu.memref_slice %arg5[%dma_wait3A_71, %dma_wait3A_75] : memref<4x128xi32, #tpu.memory_space<vmem>> -> memref<1x128xi32, #tpu.memory_space<vmem>>
    %dma_wait3A_77 = tpu.memref_squeeze %dma_wait3A_76 : memref<1x128xi32, #tpu.memory_space<vmem>> -> memref<128xi32, #tpu.memory_space<vmem>>
    %dma_wait3A_78 = arith.constant 0 : i32
    %dma_wait3A_79 = arith.constant 0 : i32
    %dma_wait3A_80 = tpu.memref_slice %arg2[%dma_wait3A_78, %dma_wait3A_79] : memref<8192x128xf32, #tpu.memory_space<hbm>> -> memref<8192x128xf32, #tpu.memory_space<hbm>>
    tpu.wait_indirect_dma semaphore(%arg7 : memref<!tpu.dma_semaphore, #tpu.memory_space<semaphore_mem>>) src(%dma_wait3A_80 : memref<8192x128xf32, #tpu.memory_space<hbm>>) dst(%dma_wait3A_74 : memref<128x128xf32, #tpu.memory_space<vmem>>)
    %mul3A_81 = arith.constant 512 : i32
    %mul3A_82 = arith.muli %add3A, %mul3A_81 : i32
    "tpu.region"() ({
      %run_scoped3A = tpu.sem_alloc : memref<!tpu.dma_semaphore, #tpu.memory_space<semaphore_mem>>
      %dma_start3A_83 = arith.constant 0 : i32
      %dma_start3A_84 = tpu.memref_slice %arg4[%mul3A_82, %dma_start3A_83] : memref<16384x128xf32, #tpu.memory_space<hbm>> -> memref<512x128xf32, #tpu.memory_space<hbm>>
      %dma_start3A_85 = arith.constant 0 : i32
      %dma_start3A_86 = tpu.memref_slice %arg4[%mul3A_82, %dma_start3A_85] : memref<16384x128xf32, #tpu.memory_space<hbm>> -> memref<512x128xf32, #tpu.memory_space<hbm>>
      tpu.enqueue_dma source(%arg6 : memref<512x128xf32, #tpu.memory_space<vmem>>) target(%dma_start3A_86 : memref<512x128xf32, #tpu.memory_space<hbm>>) target_semaphore(%run_scoped3A : memref<!tpu.dma_semaphore, #tpu.memory_space<semaphore_mem>>)
      %dma_wait3A_87 = arith.constant 0 : i32
      %dma_wait3A_88 = tpu.memref_slice %arg4[%mul3A_82, %dma_wait3A_87] : memref<16384x128xf32, #tpu.memory_space<hbm>> -> memref<512x128xf32, #tpu.memory_space<hbm>>
      %dma_wait3A_89 = arith.constant 0 : i32
      %dma_wait3A_90 = tpu.memref_slice %arg4[%mul3A_82, %dma_wait3A_89] : memref<16384x128xf32, #tpu.memory_space<hbm>> -> memref<512x128xf32, #tpu.memory_space<hbm>>
      tpu.wait_dma2 semaphore(%run_scoped3A : memref<!tpu.dma_semaphore, #tpu.memory_space<semaphore_mem>>) src(%arg6 : memref<512x128xf32, #tpu.memory_space<vmem>>) dst(%dma_wait3A_90 : memref<512x128xf32, #tpu.memory_space<hbm>>)
      tpu.yield
    }) : () -> ()
    return
  }
}

#map = affine_map<(d0, d1) -> (0, 0)>
module attributes {stable_mosaic.version = 14 : i64} {
  func.func @gather_k(%arg0: i32, %arg1: i32, %arg2: memref<8192x128xf32, #tpu.memory_space<hbm>>, %arg3: memref<128x128xi32, #tpu.memory_space<hbm>>, %arg4: memref<16384x128xf32, #tpu.memory_space<hbm>>, %arg5: memref<4x128xi32, #tpu.memory_space<vmem>>, %arg6: memref<512x128xf32, #tpu.memory_space<vmem>>, %arg7: memref<!tpu.dma_semaphore, #tpu.memory_space<semaphore_mem>>) attributes {dimension_semantics = [#tpu.dimension_semantics<core_parallel>, #tpu.dimension_semantics<subcore_parallel>], iteration_bounds = array<i64: 2, 16>, scalar_prefetch = 0 : i64, scratch_operands = 3 : i64, tpu.core_type = #tpu.core_type<sc_vector_subcore>, window_params = [{transform_indices = #map}, {transform_indices = #map}, {transform_indices = #map}]} {
    %mul3A = arith.constant 2 : i32
    %mul3A_0 = arith.muli %arg1, %mul3A : i32
    %add3A = arith.addi %mul3A_0, %arg0 : i32
    %mul3A_1 = arith.constant 4 : i32
    %mul3A_2 = arith.muli %add3A, %mul3A_1 : i32
    "tpu.region"() ({
      %run_scoped3A = tpu.sem_alloc : memref<!tpu.dma_semaphore, #tpu.memory_space<semaphore_mem>>
      %dma_start3A_83 = arith.constant 0 : i32
      %dma_start3A_84 = tpu.memref_slice %arg3[%mul3A_2, %dma_start3A_83] : memref<128x128xi32, #tpu.memory_space<hbm>> -> memref<4x128xi32, #tpu.memory_space<hbm>>
      %dma_start3A_85 = arith.constant 0 : i32
      %dma_start3A_86 = tpu.memref_slice %arg3[%mul3A_2, %dma_start3A_85] : memref<128x128xi32, #tpu.memory_space<hbm>> -> memref<4x128xi32, #tpu.memory_space<hbm>>
      tpu.enqueue_dma source(%dma_start3A_86 : memref<4x128xi32, #tpu.memory_space<hbm>>) target(%arg5 : memref<4x128xi32, #tpu.memory_space<vmem>>) target_semaphore(%run_scoped3A : memref<!tpu.dma_semaphore, #tpu.memory_space<semaphore_mem>>)
      %dma_wait3A_87 = arith.constant 0 : i32
      %dma_wait3A_88 = tpu.memref_slice %arg3[%mul3A_2, %dma_wait3A_87] : memref<128x128xi32, #tpu.memory_space<hbm>> -> memref<4x128xi32, #tpu.memory_space<hbm>>
      %dma_wait3A_89 = arith.constant 0 : i32
      %dma_wait3A_90 = tpu.memref_slice %arg3[%mul3A_2, %dma_wait3A_89] : memref<128x128xi32, #tpu.memory_space<hbm>> -> memref<4x128xi32, #tpu.memory_space<hbm>>
      tpu.wait_dma2 semaphore(%run_scoped3A : memref<!tpu.dma_semaphore, #tpu.memory_space<semaphore_mem>>) src(%dma_wait3A_90 : memref<4x128xi32, #tpu.memory_space<hbm>>) dst(%arg5 : memref<4x128xi32, #tpu.memory_space<vmem>>)
      tpu.yield
    }) : () -> ()
    %dma_start3A = arith.constant 0 : i32
    %dma_start3A_3 = arith.constant 0 : i32
    %dma_start3A_4 = arith.constant 0 : i32
    %dma_start3A_5 = tpu.memref_slice %arg6[%dma_start3A_3, %dma_start3A_4] : memref<512x128xf32, #tpu.memory_space<vmem>> -> memref<128x128xf32, #tpu.memory_space<vmem>>
    %dma_start3A_6 = arith.constant 0 : i32
    %dma_start3A_7 = tpu.memref_slice %arg5[%dma_start3A, %dma_start3A_6] : memref<4x128xi32, #tpu.memory_space<vmem>> -> memref<1x128xi32, #tpu.memory_space<vmem>>
    %dma_start3A_8 = tpu.memref_squeeze %dma_start3A_7 : memref<1x128xi32, #tpu.memory_space<vmem>> -> memref<128xi32, #tpu.memory_space<vmem>>
    %dma_start3A_9 = arith.constant 0 : i32
    %dma_start3A_10 = arith.constant 0 : i32
    %dma_start3A_11 = tpu.memref_slice %arg2[%dma_start3A_9, %dma_start3A_10] : memref<8192x128xf32, #tpu.memory_space<hbm>> -> memref<8192x128xf32, #tpu.memory_space<hbm>>
    tpu.enqueue_indirect_dma source(%dma_start3A_11 : memref<8192x128xf32, #tpu.memory_space<hbm>>) target(%dma_start3A_5 : memref<128x128xf32, #tpu.memory_space<vmem>>) offsets(%dma_start3A_8 : memref<128xi32, #tpu.memory_space<vmem>>) semaphore(%arg7 : memref<!tpu.dma_semaphore, #tpu.memory_space<semaphore_mem>>)
    %dma_start3A_12 = arith.constant 1 : i32
    %dma_start3A_13 = arith.constant 128 : i32
    %dma_start3A_14 = arith.constant 0 : i32
    %dma_start3A_15 = tpu.memref_slice %arg6[%dma_start3A_13, %dma_start3A_14] : memref<512x128xf32, #tpu.memory_space<vmem>> -> memref<128x128xf32, #tpu.memory_space<vmem>>
    %dma_start3A_16 = arith.constant 0 : i32
    %dma_start3A_17 = tpu.memref_slice %arg5[%dma_start3A_12, %dma_start3A_16] : memref<4x128xi32, #tpu.memory_space<vmem>> -> memref<1x128xi32, #tpu.memory_space<vmem>>
    %dma_start3A_18 = tpu.memref_squeeze %dma_start3A_17 : memref<1x128xi32, #tpu.memory_space<vmem>> -> memref<128xi32, #tpu.memory_space<vmem>>
    %dma_start3A_19 = arith.constant 0 : i32
    %dma_start3A_20 = arith.constant 0 : i32
    %dma_start3A_21 = tpu.memref_slice %arg2[%dma_start3A_19, %dma_start3A_20] : memref<8192x128xf32, #tpu.memory_space<hbm>> -> memref<8192x128xf32, #tpu.memory_space<hbm>>
    tpu.enqueue_indirect_dma source(%dma_start3A_21 : memref<8192x128xf32, #tpu.memory_space<hbm>>) target(%dma_start3A_15 : memref<128x128xf32, #tpu.memory_space<vmem>>) offsets(%dma_start3A_18 : memref<128xi32, #tpu.memory_space<vmem>>) semaphore(%arg7 : memref<!tpu.dma_semaphore, #tpu.memory_space<semaphore_mem>>)
    %dma_start3A_22 = arith.constant 2 : i32
    %dma_start3A_23 = arith.constant 256 : i32
    %dma_start3A_24 = arith.constant 0 : i32
    %dma_start3A_25 = tpu.memref_slice %arg6[%dma_start3A_23, %dma_start3A_24] : memref<512x128xf32, #tpu.memory_space<vmem>> -> memref<128x128xf32, #tpu.memory_space<vmem>>
    %dma_start3A_26 = arith.constant 0 : i32
    %dma_start3A_27 = tpu.memref_slice %arg5[%dma_start3A_22, %dma_start3A_26] : memref<4x128xi32, #tpu.memory_space<vmem>> -> memref<1x128xi32, #tpu.memory_space<vmem>>
    %dma_start3A_28 = tpu.memref_squeeze %dma_start3A_27 : memref<1x128xi32, #tpu.memory_space<vmem>> -> memref<128xi32, #tpu.memory_space<vmem>>
    %dma_start3A_29 = arith.constant 0 : i32
    %dma_start3A_30 = arith.constant 0 : i32
    %dma_start3A_31 = tpu.memref_slice %arg2[%dma_start3A_29, %dma_start3A_30] : memref<8192x128xf32, #tpu.memory_space<hbm>> -> memref<8192x128xf32, #tpu.memory_space<hbm>>
    tpu.enqueue_indirect_dma source(%dma_start3A_31 : memref<8192x128xf32, #tpu.memory_space<hbm>>) target(%dma_start3A_25 : memref<128x128xf32, #tpu.memory_space<vmem>>) offsets(%dma_start3A_28 : memref<128xi32, #tpu.memory_space<vmem>>) semaphore(%arg7 : memref<!tpu.dma_semaphore, #tpu.memory_space<semaphore_mem>>)
    %dma_start3A_32 = arith.constant 3 : i32
    %dma_start3A_33 = arith.constant 384 : i32
    %dma_start3A_34 = arith.constant 0 : i32
    %dma_start3A_35 = tpu.memref_slice %arg6[%dma_start3A_33, %dma_start3A_34] : memref<512x128xf32, #tpu.memory_space<vmem>> -> memref<128x128xf32, #tpu.memory_space<vmem>>
    %dma_start3A_36 = arith.constant 0 : i32
    %dma_start3A_37 = tpu.memref_slice %arg5[%dma_start3A_32, %dma_start3A_36] : memref<4x128xi32, #tpu.memory_space<vmem>> -> memref<1x128xi32, #tpu.memory_space<vmem>>
    %dma_start3A_38 = tpu.memref_squeeze %dma_start3A_37 : memref<1x128xi32, #tpu.memory_space<vmem>> -> memref<128xi32, #tpu.memory_space<vmem>>
    %dma_start3A_39 = arith.constant 0 : i32
    %dma_start3A_40 = arith.constant 0 : i32
    %dma_start3A_41 = tpu.memref_slice %arg2[%dma_start3A_39, %dma_start3A_40] : memref<8192x128xf32, #tpu.memory_space<hbm>> -> memref<8192x128xf32, #tpu.memory_space<hbm>>
    tpu.enqueue_indirect_dma source(%dma_start3A_41 : memref<8192x128xf32, #tpu.memory_space<hbm>>) target(%dma_start3A_35 : memref<128x128xf32, #tpu.memory_space<vmem>>) offsets(%dma_start3A_38 : memref<128xi32, #tpu.memory_space<vmem>>) semaphore(%arg7 : memref<!tpu.dma_semaphore, #tpu.memory_space<semaphore_mem>>)
    %dma_wait3A = arith.constant 0 : i32
    %dma_wait3A_42 = arith.constant 0 : i32
    %dma_wait3A_43 = arith.constant 0 : i32
    %dma_wait3A_44 = tpu.memref_slice %arg6[%dma_wait3A_42, %dma_wait3A_43] : memref<512x128xf32, #tpu.memory_space<vmem>> -> memref<128x128xf32, #tpu.memory_space<vmem>>
    %dma_wait3A_45 = arith.constant 0 : i32
    %dma_wait3A_46 = tpu.memref_slice %arg5[%dma_wait3A, %dma_wait3A_45] : memref<4x128xi32, #tpu.memory_space<vmem>> -> memref<1x128xi32, #tpu.memory_space<vmem>>
    %dma_wait3A_47 = tpu.memref_squeeze %dma_wait3A_46 : memref<1x128xi32, #tpu.memory_space<vmem>> -> memref<128xi32, #tpu.memory_space<vmem>>
    %dma_wait3A_48 = arith.constant 0 : i32
    %dma_wait3A_49 = arith.constant 0 : i32
    %dma_wait3A_50 = tpu.memref_slice %arg2[%dma_wait3A_48, %dma_wait3A_49] : memref<8192x128xf32, #tpu.memory_space<hbm>> -> memref<8192x128xf32, #tpu.memory_space<hbm>>
    tpu.wait_indirect_dma semaphore(%arg7 : memref<!tpu.dma_semaphore, #tpu.memory_space<semaphore_mem>>) src(%dma_wait3A_50 : memref<8192x128xf32, #tpu.memory_space<hbm>>) dst(%dma_wait3A_44 : memref<128x128xf32, #tpu.memory_space<vmem>>)
    %dma_wait3A_51 = arith.constant 1 : i32
    %dma_wait3A_52 = arith.constant 128 : i32
    %dma_wait3A_53 = arith.constant 0 : i32
    %dma_wait3A_54 = tpu.memref_slice %arg6[%dma_wait3A_52, %dma_wait3A_53] : memref<512x128xf32, #tpu.memory_space<vmem>> -> memref<128x128xf32, #tpu.memory_space<vmem>>
    %dma_wait3A_55 = arith.constant 0 : i32
    %dma_wait3A_56 = tpu.memref_slice %arg5[%dma_wait3A_51, %dma_wait3A_55] : memref<4x128xi32, #tpu.memory_space<vmem>> -> memref<1x128xi32, #tpu.memory_space<vmem>>
    %dma_wait3A_57 = tpu.memref_squeeze %dma_wait3A_56 : memref<1x128xi32, #tpu.memory_space<vmem>> -> memref<128xi32, #tpu.memory_space<vmem>>
    %dma_wait3A_58 = arith.constant 0 : i32
    %dma_wait3A_59 = arith.constant 0 : i32
    %dma_wait3A_60 = tpu.memref_slice %arg2[%dma_wait3A_58, %dma_wait3A_59] : memref<8192x128xf32, #tpu.memory_space<hbm>> -> memref<8192x128xf32, #tpu.memory_space<hbm>>
    tpu.wait_indirect_dma semaphore(%arg7 : memref<!tpu.dma_semaphore, #tpu.memory_space<semaphore_mem>>) src(%dma_wait3A_60 : memref<8192x128xf32, #tpu.memory_space<hbm>>) dst(%dma_wait3A_54 : memref<128x128xf32, #tpu.memory_space<vmem>>)
    %dma_wait3A_61 = arith.constant 2 : i32
    %dma_wait3A_62 = arith.constant 256 : i32
    %dma_wait3A_63 = arith.constant 0 : i32
    %dma_wait3A_64 = tpu.memref_slice %arg6[%dma_wait3A_62, %dma_wait3A_63] : memref<512x128xf32, #tpu.memory_space<vmem>> -> memref<128x128xf32, #tpu.memory_space<vmem>>
    %dma_wait3A_65 = arith.constant 0 : i32
    %dma_wait3A_66 = tpu.memref_slice %arg5[%dma_wait3A_61, %dma_wait3A_65] : memref<4x128xi32, #tpu.memory_space<vmem>> -> memref<1x128xi32, #tpu.memory_space<vmem>>
    %dma_wait3A_67 = tpu.memref_squeeze %dma_wait3A_66 : memref<1x128xi32, #tpu.memory_space<vmem>> -> memref<128xi32, #tpu.memory_space<vmem>>
    %dma_wait3A_68 = arith.constant 0 : i32
    %dma_wait3A_69 = arith.constant 0 : i32
    %dma_wait3A_70 = tpu.memref_slice %arg2[%dma_wait3A_68, %dma_wait3A_69] : memref<8192x128xf32, #tpu.memory_space<hbm>> -> memref<8192x128xf32, #tpu.memory_space<hbm>>
    tpu.wait_indirect_dma semaphore(%arg7 : memref<!tpu.dma_semaphore, #tpu.memory_space<semaphore_mem>>) src(%dma_wait3A_70 : memref<8192x128xf32, #tpu.memory_space<hbm>>) dst(%dma_wait3A_64 : memref<128x128xf32, #tpu.memory_space<vmem>>)
    %dma_wait3A_71 = arith.constant 3 : i32
    %dma_wait3A_72 = arith.constant 384 : i32
    %dma_wait3A_73 = arith.constant 0 : i32
    %dma_wait3A_74 = tpu.memref_slice %arg6[%dma_wait3A_72, %dma_wait3A_73] : memref<512x128xf32, #tpu.memory_space<vmem>> -> memref<128x128xf32, #tpu.memory_space<vmem>>
    %dma_wait3A_75 = arith.constant 0 : i32
    %dma_wait3A_76 = tpu.memref_slice %arg5[%dma_wait3A_71, %dma_wait3A_75] : memref<4x128xi32, #tpu.memory_space<vmem>> -> memref<1x128xi32, #tpu.memory_space<vmem>>
    %dma_wait3A_77 = tpu.memref_squeeze %dma_wait3A_76 : memref<1x128xi32, #tpu.memory_space<vmem>> -> memref<128xi32, #tpu.memory_space<vmem>>
    %dma_wait3A_78 = arith.constant 0 : i32
    %dma_wait3A_79 = arith.constant 0 : i32
    %dma_wait3A_80 = tpu.memref_slice %arg2[%dma_wait3A_78, %dma_wait3A_79] : memref<8192x128xf32, #tpu.memory_space<hbm>> -> memref<8192x128xf32, #tpu.memory_space<hbm>>
    tpu.wait_indirect_dma semaphore(%arg7 : memref<!tpu.dma_semaphore, #tpu.memory_space<semaphore_mem>>) src(%dma_wait3A_80 : memref<8192x128xf32, #tpu.memory_space<hbm>>) dst(%dma_wait3A_74 : memref<128x128xf32, #tpu.memory_space<vmem>>)
    %mul3A_81 = arith.constant 512 : i32
    %mul3A_82 = arith.muli %add3A, %mul3A_81 : i32
    "tpu.region"() ({
      %run_scoped3A = tpu.sem_alloc : memref<!tpu.dma_semaphore, #tpu.memory_space<semaphore_mem>>
      %dma_start3A_83 = arith.constant 0 : i32
      %dma_start3A_84 = tpu.memref_slice %arg4[%mul3A_82, %dma_start3A_83] : memref<16384x128xf32, #tpu.memory_space<hbm>> -> memref<512x128xf32, #tpu.memory_space<hbm>>
      %dma_start3A_85 = arith.constant 0 : i32
      %dma_start3A_86 = tpu.memref_slice %arg4[%mul3A_82, %dma_start3A_85] : memref<16384x128xf32, #tpu.memory_space<hbm>> -> memref<512x128xf32, #tpu.memory_space<hbm>>
      tpu.enqueue_dma source(%arg6 : memref<512x128xf32, #tpu.memory_space<vmem>>) target(%dma_start3A_86 : memref<512x128xf32, #tpu.memory_space<hbm>>) target_semaphore(%run_scoped3A : memref<!tpu.dma_semaphore, #tpu.memory_space<semaphore_mem>>)
      %dma_wait3A_87 = arith.constant 0 : i32
      %dma_wait3A_88 = tpu.memref_slice %arg4[%mul3A_82, %dma_wait3A_87] : memref<16384x128xf32, #tpu.memory_space<hbm>> -> memref<512x128xf32, #tpu.memory_space<hbm>>
      %dma_wait3A_89 = arith.constant 0 : i32
      %dma_wait3A_90 = tpu.memref_slice %arg4[%mul3A_82, %dma_wait3A_89] : memref<16384x128xf32, #tpu.memory_space<hbm>> -> memref<512x128xf32, #tpu.memory_space<hbm>>
      tpu.wait_dma2 semaphore(%run_scoped3A : memref<!tpu.dma_semaphore, #tpu.memory_space<semaphore_mem>>) src(%arg6 : memref<512x128xf32, #tpu.memory_space<vmem>>) dst(%dma_wait3A_90 : memref<512x128xf32, #tpu.memory_space<hbm>>)
      tpu.yield
    }) : () -> ()
    return
  }
}

module attributes {stable_mosaic.version = 14 : i64} {
  func.func @_k2_body(%arg0: i32, %arg1: memref<1x4096x32xf32, #tpu.memory_space<vmem>>, %arg2: memref<1x2048x32xf32, #tpu.memory_space<vmem>>, %arg3: memref<1x4096x32xf32, #tpu.memory_space<vmem>>, %arg4: memref<1x512x8xf32, #tpu.memory_space<vmem>>, %arg5: memref<1x4096x32xf32, #tpu.memory_space<vmem>>, %arg6: memref<1x1x4096xi32, #tpu.memory_space<vmem>>, %arg7: memref<1x512x8xf32, #tpu.memory_space<vmem>>) attributes {dimension_semantics = [#tpu.dimension_semantics<arbitrary>], iteration_bounds = array<i64: 4>, scalar_prefetch = 0 : i64, scratch_operands = 0 : i64, tpu.core_type = #tpu.core_type<tc>, window_params = [{transform_indices = @transform_0, window_bounds = array<i64: 1, 4096, 32>}, {transform_indices = @transform_1, window_bounds = array<i64: 1, 2048, 32>}, {transform_indices = @transform_2, window_bounds = array<i64: 1, 4096, 32>}, {transform_indices = @transform_3, window_bounds = array<i64: 1, 512, 8>}, {transform_indices = @transform_4, window_bounds = array<i64: 1, 4096, 32>}, {transform_indices = @transform_5, window_bounds = array<i64: 1, 1, 4096>}, {transform_indices = @transform_6, window_bounds = array<i64: 1, 512, 8>}]} {
    %get3A = arith.constant 0 : index
    %get3A_0 = arith.constant 0 : index
    %get3A_1 = arith.constant 0 : index
    %get3A_2 = vector.load %arg2[%get3A, %get3A_0, %get3A_1] : memref<1x2048x32xf32, #tpu.memory_space<vmem>>, vector<1x2048x32xf32>
    %get3A_3 = vector.shape_cast %get3A_2 : vector<1x2048x32xf32> to vector<2048x32xf32>
    %mul3A = arith.mulf %get3A_3, %get3A_3 : vector<2048x32xf32>
    %reduce_sum3A = arith.constant dense<0.000000e+00> : vector<2048xf32>
    %reduce_sum3A_4 = vector.multi_reduction <add>, %mul3A, %reduce_sum3A [1] : vector<2048x32xf32> to vector<2048xf32>
    %broadcast_in_dim3A = vector.shape_cast %reduce_sum3A_4 : vector<2048xf32> to vector<1x2048xf32>
    %iota3A = tpu.iota {dimensions = array<i32: 1>} : vector<512x2048xi32>
    %convert_element_type3A = arith.sitofp %iota3A : vector<512x2048xi32> to vector<512x2048xf32>
    %get3A_5 = arith.constant 0 : index
    %get3A_6 = arith.constant 0 : index
    %get3A_7 = arith.constant 0 : index
    %get3A_8 = vector.load %arg4[%get3A_5, %get3A_6, %get3A_7] : memref<1x512x8xf32, #tpu.memory_space<vmem>>, vector<1x512x8xf32>
    %get3A_9 = vector.shape_cast %get3A_8 : vector<1x512x8xf32> to vector<512x8xf32>
    %reduce_max3A = vector.shape_cast %get3A_9 : vector<512x8xf32> to vector<1x512x8xf32>
    %reduce_max3A_10 = arith.constant dense<0xFF800000> : vector<1xf32>
    %reduce_max3A_11 = vector.multi_reduction <maximumf>, %reduce_max3A, %reduce_max3A_10 [1, 2] : vector<1x512x8xf32> to vector<1xf32>
    %reduce_max3A_12 = vector.shape_cast %reduce_max3A_11 : vector<1xf32> to vector<1x1x1xf32>
    %reduce_max3A_13 = vector.extract %reduce_max3A_12[0, 0, 0] : f32 from vector<1x1x1xf32>
    %max3A = arith.constant 9.99999996E-13 : f32
    %max3A_14 = arith.maximumf %reduce_max3A_13, %max3A : f32
    %sqrt3A = math.sqrt %max3A_14 : f32
    %add3A = arith.constant 9.99999997E-7 : f32
    %add3A_15 = arith.addf %sqrt3A, %add3A : f32
    %get3A_16 = arith.constant 0 : index
    %get3A_17 = arith.constant 0 : index
    %get3A_18 = arith.constant 0 : index
    %get3A_19 = vector.load %arg1[%get3A_16, %get3A_17, %get3A_18] : memref<1x4096x32xf32, #tpu.memory_space<vmem>>, vector<1x512x32xf32>
    %get3A_20 = vector.shape_cast %get3A_19 : vector<1x512x32xf32> to vector<512x32xf32>
    %get3A_21 = arith.constant 0 : index
    %get3A_22 = arith.constant 0 : index
    %get3A_23 = arith.constant 0 : index
    %get3A_24 = vector.load %arg3[%get3A_21, %get3A_22, %get3A_23] : memref<1x4096x32xf32, #tpu.memory_space<vmem>>, vector<1x512x32xf32>
    %get3A_25 = vector.shape_cast %get3A_24 : vector<1x512x32xf32> to vector<512x32xf32>
    %get3A_26 = arith.constant 0 : index
    %get3A_27 = arith.constant 0 : index
    %get3A_28 = arith.constant 0 : index
    %get3A_29 = vector.load %arg4[%get3A_26, %get3A_27, %get3A_28] : memref<1x512x8xf32, #tpu.memory_space<vmem>>, vector<1x512x1xf32>
    %get3A_30 = vector.shape_cast %get3A_29 : vector<1x512x1xf32> to vector<512x1xf32>
    %max3A_31 = arith.constant 9.99999996E-13 : f32
    %max3A_32 = vector.broadcast %max3A_31 : f32 to vector<512x1xf32>
    %max3A_33 = arith.maximumf %get3A_30, %max3A_32 : vector<512x1xf32>
    %sqrt3A_34 = math.sqrt %max3A_33 : vector<512x1xf32>
    %div3A = vector.broadcast %add3A_15 : f32 to vector<512x1xf32>
    %div3A_35 = arith.divf %sqrt3A_34, %div3A : vector<512x1xf32>
    %sub3A = arith.constant 2.000000e+00 : f32
    %sub3A_36 = vector.broadcast %sub3A : f32 to vector<512x1xf32>
    %sub3A_37 = arith.subf %sub3A_36, %div3A_35 : vector<512x1xf32>
    %mul3A_38 = arith.constant 5.000000e-02 : f32
    %mul3A_39 = vector.broadcast %mul3A_38 : f32 to vector<512x1xf32>
    %mul3A_40 = arith.mulf %mul3A_39, %sub3A_37 : vector<512x1xf32>
    %sub3A_41 = arith.subf %get3A_25, %get3A_20 : vector<512x32xf32>
    %mul3A_42 = vector.broadcast %mul3A_40 : vector<512x1xf32> to vector<512x32xf32>
    %mul3A_43 = arith.mulf %mul3A_42, %sub3A_41 : vector<512x32xf32>
    %add3A_44 = arith.addf %get3A_20, %mul3A_43 : vector<512x32xf32>
    %swap3A = arith.constant 0 : index
    %swap3A_45 = arith.constant 0 : index
    %swap3A_46 = arith.constant 0 : index
    %swap3A_47 = vector.load %arg5[%swap3A, %swap3A_45, %swap3A_46] : memref<1x4096x32xf32, #tpu.memory_space<vmem>>, vector<1x512x32xf32>
    %swap3A_48 = vector.shape_cast %swap3A_47 : vector<1x512x32xf32> to vector<512x32xf32>
    %swap3A_49 = vector.shape_cast %add3A_44 : vector<512x32xf32> to vector<1x512x32xf32>
    tpu.vector_store %arg5[%swap3A, %swap3A_45, %swap3A_46], %swap3A_49 {strides = array<i32>} : memref<1x4096x32xf32, #tpu.memory_space<vmem>>, vector<1x512x32xf32>,
    %get3A_50 = arith.constant 0 : index
    %get3A_51 = arith.constant 512 : index
    %get3A_52 = arith.constant 0 : index
    %get3A_53 = vector.load %arg1[%get3A_50, %get3A_51, %get3A_52] : memref<1x4096x32xf32, #tpu.memory_space<vmem>>, vector<1x512x32xf32>
    %get3A_54 = vector.shape_cast %get3A_53 : vector<1x512x32xf32> to vector<512x32xf32>
    %get3A_55 = arith.constant 0 : index
    %get3A_56 = arith.constant 512 : index
    %get3A_57 = arith.constant 0 : index
    %get3A_58 = vector.load %arg3[%get3A_55, %get3A_56, %get3A_57] : memref<1x4096x32xf32, #tpu.memory_space<vmem>>, vector<1x512x32xf32>
    %get3A_59 = vector.shape_cast %get3A_58 : vector<1x512x32xf32> to vector<512x32xf32>
    %get3A_60 = arith.constant 0 : index
    %get3A_61 = arith.constant 0 : index
    %get3A_62 = arith.constant 1 : index
    %get3A_63 = vector.load %arg4[%get3A_60, %get3A_61, %get3A_62] : memref<1x512x8xf32, #tpu.memory_space<vmem>>, vector<1x512x1xf32>
    %get3A_64 = vector.shape_cast %get3A_63 : vector<1x512x1xf32> to vector<512x1xf32>
    %max3A_65 = arith.constant 9.99999996E-13 : f32
    %max3A_66 = vector.broadcast %max3A_65 : f32 to vector<512x1xf32>
    %max3A_67 = arith.maximumf %get3A_64, %max3A_66 : vector<512x1xf32>
    %sqrt3A_68 = math.sqrt %max3A_67 : vector<512x1xf32>
    %div3A_69 = vector.broadcast %add3A_15 : f32 to vector<512x1xf32>
    %div3A_70 = arith.divf %sqrt3A_68, %div3A_69 : vector<512x1xf32>
    %sub3A_71 = arith.constant 2.000000e+00 : f32
    %sub3A_72 = vector.broadcast %sub3A_71 : f32 to vector<512x1xf32>
    %sub3A_73 = arith.subf %sub3A_72, %div3A_70 : vector<512x1xf32>
    %mul3A_74 = arith.constant 5.000000e-02 : f32
    %mul3A_75 = vector.broadcast %mul3A_74 : f32 to vector<512x1xf32>
    %mul3A_76 = arith.mulf %mul3A_75, %sub3A_73 : vector<512x1xf32>
    %sub3A_77 = arith.subf %get3A_59, %get3A_54 : vector<512x32xf32>
    %mul3A_78 = vector.broadcast %mul3A_76 : vector<512x1xf32> to vector<512x32xf32>
    %mul3A_79 = arith.mulf %mul3A_78, %sub3A_77 : vector<512x32xf32>
    %add3A_80 = arith.addf %get3A_54, %mul3A_79 : vector<512x32xf32>
    %swap3A_81 = arith.constant 0 : index
    %swap3A_82 = arith.constant 512 : index
    %swap3A_83 = arith.constant 0 : index
    %swap3A_84 = vector.load %arg5[%swap3A_81, %swap3A_82, %swap3A_83] : memref<1x4096x32xf32, #tpu.memory_space<vmem>>, vector<1x512x32xf32>
    %swap3A_85 = vector.shape_cast %swap3A_84 : vector<1x512x32xf32> to vector<512x32xf32>
    %swap3A_86 = vector.shape_cast %add3A_80 : vector<512x32xf32> to vector<1x512x32xf32>
    tpu.vector_store %arg5[%swap3A_81, %swap3A_82, %swap3A_83], %swap3A_86 {strides = array<i32>} : memref<1x4096x32xf32, #tpu.memory_space<vmem>>, vector<1x512x32xf32>,
    %get3A_87 = arith.constant 0 : index
    %get3A_88 = arith.constant 1024 : index
    %get3A_89 = arith.constant 0 : index
    %get3A_90 = vector.load %arg1[%get3A_87, %get3A_88, %get3A_89] : memref<1x4096x32xf32, #tpu.memory_space<vmem>>, vector<1x512x32xf32>
    %get3A_91 = vector.shape_cast %get3A_90 : vector<1x512x32xf32> to vector<512x32xf32>
    %get3A_92 = arith.constant 0 : index
    %get3A_93 = arith.constant 1024 : index
    %get3A_94 = arith.constant 0 : index
    %get3A_95 = vector.load %arg3[%get3A_92, %get3A_93, %get3A_94] : memref<1x4096x32xf32, #tpu.memory_space<vmem>>, vector<1x512x32xf32>
    %get3A_96 = vector.shape_cast %get3A_95 : vector<1x512x32xf32> to vector<512x32xf32>
    %get3A_97 = arith.constant 0 : index
    %get3A_98 = arith.constant 0 : index
    %get3A_99 = arith.constant 2 : index
    %get3A_100 = vector.load %arg4[%get3A_97, %get3A_98, %get3A_99] : memref<1x512x8xf32, #tpu.memory_space<vmem>>, vector<1x512x1xf32>
    %get3A_101 = vector.shape_cast %get3A_100 : vector<1x512x1xf32> to vector<512x1xf32>
    %max3A_102 = arith.constant 9.99999996E-13 : f32
    %max3A_103 = vector.broadcast %max3A_102 : f32 to vector<512x1xf32>
    %max3A_104 = arith.maximumf %get3A_101, %max3A_103 : vector<512x1xf32>
    %sqrt3A_105 = math.sqrt %max3A_104 : vector<512x1xf32>
    %div3A_106 = vector.broadcast %add3A_15 : f32 to vector<512x1xf32>
    %div3A_107 = arith.divf %sqrt3A_105, %div3A_106 : vector<512x1xf32>
    %sub3A_108 = arith.constant 2.000000e+00 : f32
    %sub3A_109 = vector.broadcast %sub3A_108 : f32 to vector<512x1xf32>
    %sub3A_110 = arith.subf %sub3A_109, %div3A_107 : vector<512x1xf32>
    %mul3A_111 = arith.constant 5.000000e-02 : f32
    %mul3A_112 = vector.broadcast %mul3A_111 : f32 to vector<512x1xf32>
    %mul3A_113 = arith.mulf %mul3A_112, %sub3A_110 : vector<512x1xf32>
    %sub3A_114 = arith.subf %get3A_96, %get3A_91 : vector<512x32xf32>
    %mul3A_115 = vector.broadcast %mul3A_113 : vector<512x1xf32> to vector<512x32xf32>
    %mul3A_116 = arith.mulf %mul3A_115, %sub3A_114 : vector<512x32xf32>
    %add3A_117 = arith.addf %get3A_91, %mul3A_116 : vector<512x32xf32>
    %swap3A_118 = arith.constant 0 : index
    %swap3A_119 = arith.constant 1024 : index
    %swap3A_120 = arith.constant 0 : index
    %swap3A_121 = vector.load %arg5[%swap3A_118, %swap3A_119, %swap3A_120] : memref<1x4096x32xf32, #tpu.memory_space<vmem>>, vector<1x512x32xf32>
    %swap3A_122 = vector.shape_cast %swap3A_121 : vector<1x512x32xf32> to vector<512x32xf32>
    %swap3A_123 = vector.shape_cast %add3A_117 : vector<512x32xf32> to vector<1x512x32xf32>
    tpu.vector_store %arg5[%swap3A_118, %swap3A_119, %swap3A_120], %swap3A_123 {strides = array<i32>} : memref<1x4096x32xf32, #tpu.memory_space<vmem>>, vector<1x512x32xf32>,
    %get3A_124 = arith.constant 0 : index
    %get3A_125 = arith.constant 1536 : index
    %get3A_126 = arith.constant 0 : index
    %get3A_127 = vector.load %arg1[%get3A_124, %get3A_125, %get3A_126] : memref<1x4096x32xf32, #tpu.memory_space<vmem>>, vector<1x512x32xf32>
    %get3A_128 = vector.shape_cast %get3A_127 : vector<1x512x32xf32> to vector<512x32xf32>
    %get3A_129 = arith.constant 0 : index
    %get3A_130 = arith.constant 1536 : index
    %get3A_131 = arith.constant 0 : index
    %get3A_132 = vector.load %arg3[%get3A_129, %get3A_130, %get3A_131] : memref<1x4096x32xf32, #tpu.memory_space<vmem>>, vector<1x512x32xf32>
    %get3A_133 = vector.shape_cast %get3A_132 : vector<1x512x32xf32> to vector<512x32xf32>
    %get3A_134 = arith.constant 0 : index
    %get3A_135 = arith.constant 0 : index
    %get3A_136 = arith.constant 3 : index
    %get3A_137 = vector.load %arg4[%get3A_134, %get3A_135, %get3A_136] : memref<1x512x8xf32, #tpu.memory_space<vmem>>, vector<1x512x1xf32>
    %get3A_138 = vector.shape_cast %get3A_137 : vector<1x512x1xf32> to vector<512x1xf32>
    %max3A_139 = arith.constant 9.99999996E-13 : f32
    %max3A_140 = vector.broadcast %max3A_139 : f32 to vector<512x1xf32>
    %max3A_141 = arith.maximumf %get3A_138, %max3A_140 : vector<512x1xf32>
    %sqrt3A_142 = math.sqrt %max3A_141 : vector<512x1xf32>
    %div3A_143 = vector.broadcast %add3A_15 : f32 to vector<512x1xf32>
    %div3A_144 = arith.divf %sqrt3A_142, %div3A_143 : vector<512x1xf32>
    %sub3A_145 = arith.constant 2.000000e+00 : f32
    %sub3A_146 = vector.broadcast %sub3A_145 : f32 to vector<512x1xf32>
    %sub3A_147 = arith.subf %sub3A_146, %div3A_144 : vector<512x1xf32>
    %mul3A_148 = arith.constant 5.000000e-02 : f32
    %mul3A_149 = vector.broadcast %mul3A_148 : f32 to vector<512x1xf32>
    %mul3A_150 = arith.mulf %mul3A_149, %sub3A_147 : vector<512x1xf32>
    %sub3A_151 = arith.subf %get3A_133, %get3A_128 : vector<512x32xf32>
    %mul3A_152 = vector.broadcast %mul3A_150 : vector<512x1xf32> to vector<512x32xf32>
    %mul3A_153 = arith.mulf %mul3A_152, %sub3A_151 : vector<512x32xf32>
    %add3A_154 = arith.addf %get3A_128, %mul3A_153 : vector<512x32xf32>
    %swap3A_155 = arith.constant 0 : index
    %swap3A_156 = arith.constant 1536 : index
    %swap3A_157 = arith.constant 0 : index
    %swap3A_158 = vector.load %arg5[%swap3A_155, %swap3A_156, %swap3A_157] : memref<1x4096x32xf32, #tpu.memory_space<vmem>>, vector<1x512x32xf32>
    %swap3A_159 = vector.shape_cast %swap3A_158 : vector<1x512x32xf32> to vector<512x32xf32>
    %swap3A_160 = vector.shape_cast %add3A_154 : vector<512x32xf32> to vector<1x512x32xf32>
    tpu.vector_store %arg5[%swap3A_155, %swap3A_156, %swap3A_157], %swap3A_160 {strides = array<i32>} : memref<1x4096x32xf32, #tpu.memory_space<vmem>>, vector<1x512x32xf32>,
    %get3A_161 = arith.constant 0 : index
    %get3A_162 = arith.constant 2048 : index
    %get3A_163 = arith.constant 0 : index
    %get3A_164 = vector.load %arg1[%get3A_161, %get3A_162, %get3A_163] : memref<1x4096x32xf32, #tpu.memory_space<vmem>>, vector<1x512x32xf32>
    %get3A_165 = vector.shape_cast %get3A_164 : vector<1x512x32xf32> to vector<512x32xf32>
    %get3A_166 = arith.constant 0 : index
    %get3A_167 = arith.constant 2048 : index
    %get3A_168 = arith.constant 0 : index
    %get3A_169 = vector.load %arg3[%get3A_166, %get3A_167, %get3A_168] : memref<1x4096x32xf32, #tpu.memory_space<vmem>>, vector<1x512x32xf32>
    %get3A_170 = vector.shape_cast %get3A_169 : vector<1x512x32xf32> to vector<512x32xf32>
    %get3A_171 = arith.constant 0 : index
    %get3A_172 = arith.constant 0 : index
    %get3A_173 = arith.constant 4 : index
    %get3A_174 = vector.load %arg4[%get3A_171, %get3A_172, %get3A_173] : memref<1x512x8xf32, #tpu.memory_space<vmem>>, vector<1x512x1xf32>
    %get3A_175 = vector.shape_cast %get3A_174 : vector<1x512x1xf32> to vector<512x1xf32>
    %max3A_176 = arith.constant 9.99999996E-13 : f32
    %max3A_177 = vector.broadcast %max3A_176 : f32 to vector<512x1xf32>
    %max3A_178 = arith.maximumf %get3A_175, %max3A_177 : vector<512x1xf32>
    %sqrt3A_179 = math.sqrt %max3A_178 : vector<512x1xf32>
    %div3A_180 = vector.broadcast %add3A_15 : f32 to vector<512x1xf32>
    %div3A_181 = arith.divf %sqrt3A_179, %div3A_180 : vector<512x1xf32>
    %sub3A_182 = arith.constant 2.000000e+00 : f32
    %sub3A_183 = vector.broadcast %sub3A_182 : f32 to vector<512x1xf32>
    %sub3A_184 = arith.subf %sub3A_183, %div3A_181 : vector<512x1xf32>
    %mul3A_185 = arith.constant 5.000000e-02 : f32
    %mul3A_186 = vector.broadcast %mul3A_185 : f32 to vector<512x1xf32>
    %mul3A_187 = arith.mulf %mul3A_186, %sub3A_184 : vector<512x1xf32>
    %sub3A_188 = arith.subf %get3A_170, %get3A_165 : vector<512x32xf32>
    %mul3A_189 = vector.broadcast %mul3A_187 : vector<512x1xf32> to vector<512x32xf32>
    %mul3A_190 = arith.mulf %mul3A_189, %sub3A_188 : vector<512x32xf32>
    %add3A_191 = arith.addf %get3A_165, %mul3A_190 : vector<512x32xf32>
    %swap3A_192 = arith.constant 0 : index
    %swap3A_193 = arith.constant 2048 : index
    %swap3A_194 = arith.constant 0 : index
    %swap3A_195 = vector.load %arg5[%swap3A_192, %swap3A_193, %swap3A_194] : memref<1x4096x32xf32, #tpu.memory_space<vmem>>, vector<1x512x32xf32>
    %swap3A_196 = vector.shape_cast %swap3A_195 : vector<1x512x32xf32> to vector<512x32xf32>
    %swap3A_197 = vector.shape_cast %add3A_191 : vector<512x32xf32> to vector<1x512x32xf32>
    tpu.vector_store %arg5[%swap3A_192, %swap3A_193, %swap3A_194], %swap3A_197 {strides = array<i32>} : memref<1x4096x32xf32, #tpu.memory_space<vmem>>, vector<1x512x32xf32>,
    %get3A_198 = arith.constant 0 : index
    %get3A_199 = arith.constant 2560 : index
    %get3A_200 = arith.constant 0 : index
    %get3A_201 = vector.load %arg1[%get3A_198, %get3A_199, %get3A_200] : memref<1x4096x32xf32, #tpu.memory_space<vmem>>, vector<1x512x32xf32>
    %get3A_202 = vector.shape_cast %get3A_201 : vector<1x512x32xf32> to vector<512x32xf32>
    %get3A_203 = arith.constant 0 : index
    %get3A_204 = arith.constant 2560 : index
    %get3A_205 = arith.constant 0 : index
    %get3A_206 = vector.load %arg3[%get3A_203, %get3A_204, %get3A_205] : memref<1x4096x32xf32, #tpu.memory_space<vmem>>, vector<1x512x32xf32>
    %get3A_207 = vector.shape_cast %get3A_206 : vector<1x512x32xf32> to vector<512x32xf32>
    %get3A_208 = arith.constant 0 : index
    %get3A_209 = arith.constant 0 : index
    %get3A_210 = arith.constant 5 : index
    %get3A_211 = vector.load %arg4[%get3A_208, %get3A_209, %get3A_210] : memref<1x512x8xf32, #tpu.memory_space<vmem>>, vector<1x512x1xf32>
    %get3A_212 = vector.shape_cast %get3A_211 : vector<1x512x1xf32> to vector<512x1xf32>
    %max3A_213 = arith.constant 9.99999996E-13 : f32
    %max3A_214 = vector.broadcast %max3A_213 : f32 to vector<512x1xf32>
    %max3A_215 = arith.maximumf %get3A_212, %max3A_214 : vector<512x1xf32>
    %sqrt3A_216 = math.sqrt %max3A_215 : vector<512x1xf32>
    %div3A_217 = vector.broadcast %add3A_15 : f32 to vector<512x1xf32>
    %div3A_218 = arith.divf %sqrt3A_216, %div3A_217 : vector<512x1xf32>
    %sub3A_219 = arith.constant 2.000000e+00 : f32
    %sub3A_220 = vector.broadcast %sub3A_219 : f32 to vector<512x1xf32>
    %sub3A_221 = arith.subf %sub3A_220, %div3A_218 : vector<512x1xf32>
    %mul3A_222 = arith.constant 5.000000e-02 : f32
    %mul3A_223 = vector.broadcast %mul3A_222 : f32 to vector<512x1xf32>
    %mul3A_224 = arith.mulf %mul3A_223, %sub3A_221 : vector<512x1xf32>
    %sub3A_225 = arith.subf %get3A_207, %get3A_202 : vector<512x32xf32>
    %mul3A_226 = vector.broadcast %mul3A_224 : vector<512x1xf32> to vector<512x32xf32>
    %mul3A_227 = arith.mulf %mul3A_226, %sub3A_225 : vector<512x32xf32>
    %add3A_228 = arith.addf %get3A_202, %mul3A_227 : vector<512x32xf32>
    %swap3A_229 = arith.constant 0 : index
    %swap3A_230 = arith.constant 2560 : index
    %swap3A_231 = arith.constant 0 : index
    %swap3A_232 = vector.load %arg5[%swap3A_229, %swap3A_230, %swap3A_231] : memref<1x4096x32xf32, #tpu.memory_space<vmem>>, vector<1x512x32xf32>
    %swap3A_233 = vector.shape_cast %swap3A_232 : vector<1x512x32xf32> to vector<512x32xf32>
    %swap3A_234 = vector.shape_cast %add3A_228 : vector<512x32xf32> to vector<1x512x32xf32>
    tpu.vector_store %arg5[%swap3A_229, %swap3A_230, %swap3A_231], %swap3A_234 {strides = array<i32>} : memref<1x4096x32xf32, #tpu.memory_space<vmem>>, vector<1x512x32xf32>,
    %get3A_235 = arith.constant 0 : index
    %get3A_236 = arith.constant 3072 : index
    %get3A_237 = arith.constant 0 : index
    %get3A_238 = vector.load %arg1[%get3A_235, %get3A_236, %get3A_237] : memref<1x4096x32xf32, #tpu.memory_space<vmem>>, vector<1x512x32xf32>
    %get3A_239 = vector.shape_cast %get3A_238 : vector<1x512x32xf32> to vector<512x32xf32>
    %get3A_240 = arith.constant 0 : index
    %get3A_241 = arith.constant 3072 : index
    %get3A_242 = arith.constant 0 : index
    %get3A_243 = vector.load %arg3[%get3A_240, %get3A_241, %get3A_242] : memref<1x4096x32xf32, #tpu.memory_space<vmem>>, vector<1x512x32xf32>
    %get3A_244 = vector.shape_cast %get3A_243 : vector<1x512x32xf32> to vector<512x32xf32>
    %get3A_245 = arith.constant 0 : index
    %get3A_246 = arith.constant 0 : index
    %get3A_247 = arith.constant 6 : index
    %get3A_248 = vector.load %arg4[%get3A_245, %get3A_246, %get3A_247] : memref<1x512x8xf32, #tpu.memory_space<vmem>>, vector<1x512x1xf32>
    %get3A_249 = vector.shape_cast %get3A_248 : vector<1x512x1xf32> to vector<512x1xf32>
    %max3A_250 = arith.constant 9.99999996E-13 : f32
    %max3A_251 = vector.broadcast %max3A_250 : f32 to vector<512x1xf32>
    %max3A_252 = arith.maximumf %get3A_249, %max3A_251 : vector<512x1xf32>
    %sqrt3A_253 = math.sqrt %max3A_252 : vector<512x1xf32>
    %div3A_254 = vector.broadcast %add3A_15 : f32 to vector<512x1xf32>
    %div3A_255 = arith.divf %sqrt3A_253, %div3A_254 : vector<512x1xf32>
    %sub3A_256 = arith.constant 2.000000e+00 : f32
    %sub3A_257 = vector.broadcast %sub3A_256 : f32 to vector<512x1xf32>
    %sub3A_258 = arith.subf %sub3A_257, %div3A_255 : vector<512x1xf32>
    %mul3A_259 = arith.constant 5.000000e-02 : f32
    %mul3A_260 = vector.broadcast %mul3A_259 : f32 to vector<512x1xf32>
    %mul3A_261 = arith.mulf %mul3A_260, %sub3A_258 : vector<512x1xf32>
    %sub3A_262 = arith.subf %get3A_244, %get3A_239 : vector<512x32xf32>
    %mul3A_263 = vector.broadcast %mul3A_261 : vector<512x1xf32> to vector<512x32xf32>
    %mul3A_264 = arith.mulf %mul3A_263, %sub3A_262 : vector<512x32xf32>
    %add3A_265 = arith.addf %get3A_239, %mul3A_264 : vector<512x32xf32>
    %swap3A_266 = arith.constant 0 : index
    %swap3A_267 = arith.constant 3072 : index
    %swap3A_268 = arith.constant 0 : index
    %swap3A_269 = vector.load %arg5[%swap3A_266, %swap3A_267, %swap3A_268] : memref<1x4096x32xf32, #tpu.memory_space<vmem>>, vector<1x512x32xf32>
    %swap3A_270 = vector.shape_cast %swap3A_269 : vector<1x512x32xf32> to vector<512x32xf32>
    %swap3A_271 = vector.shape_cast %add3A_265 : vector<512x32xf32> to vector<1x512x32xf32>
    tpu.vector_store %arg5[%swap3A_266, %swap3A_267, %swap3A_268], %swap3A_271 {strides = array<i32>} : memref<1x4096x32xf32, #tpu.memory_space<vmem>>, vector<1x512x32xf32>,
    %get3A_272 = arith.constant 0 : index
    %get3A_273 = arith.constant 3584 : index
    %get3A_274 = arith.constant 0 : index
    %get3A_275 = vector.load %arg1[%get3A_272, %get3A_273, %get3A_274] : memref<1x4096x32xf32, #tpu.memory_space<vmem>>, vector<1x512x32xf32>
    %get3A_276 = vector.shape_cast %get3A_275 : vector<1x512x32xf32> to vector<512x32xf32>
    %get3A_277 = arith.constant 0 : index
    %get3A_278 = arith.constant 3584 : index
    %get3A_279 = arith.constant 0 : index
    %get3A_280 = vector.load %arg3[%get3A_277, %get3A_278, %get3A_279] : memref<1x4096x32xf32, #tpu.memory_space<vmem>>, vector<1x512x32xf32>
    %get3A_281 = vector.shape_cast %get3A_280 : vector<1x512x32xf32> to vector<512x32xf32>
    %get3A_282 = arith.constant 0 : index
    %get3A_283 = arith.constant 0 : index
    %get3A_284 = arith.constant 7 : index
    %get3A_285 = vector.load %arg4[%get3A_282, %get3A_283, %get3A_284] : memref<1x512x8xf32, #tpu.memory_space<vmem>>, vector<1x512x1xf32>
    %get3A_286 = vector.shape_cast %get3A_285 : vector<1x512x1xf32> to vector<512x1xf32>
    %max3A_287 = arith.constant 9.99999996E-13 : f32
    %max3A_288 = vector.broadcast %max3A_287 : f32 to vector<512x1xf32>
    %max3A_289 = arith.maximumf %get3A_286, %max3A_288 : vector<512x1xf32>
    %sqrt3A_290 = math.sqrt %max3A_289 : vector<512x1xf32>
    %div3A_291 = vector.broadcast %add3A_15 : f32 to vector<512x1xf32>
    %div3A_292 = arith.divf %sqrt3A_290, %div3A_291 : vector<512x1xf32>
    %sub3A_293 = arith.constant 2.000000e+00 : f32
    %sub3A_294 = vector.broadcast %sub3A_293 : f32 to vector<512x1xf32>
    %sub3A_295 = arith.subf %sub3A_294, %div3A_292 : vector<512x1xf32>
    %mul3A_296 = arith.constant 5.000000e-02 : f32
    %mul3A_297 = vector.broadcast %mul3A_296 : f32 to vector<512x1xf32>
    %mul3A_298 = arith.mulf %mul3A_297, %sub3A_295 : vector<512x1xf32>
    %sub3A_299 = arith.subf %get3A_281, %get3A_276 : vector<512x32xf32>
    %mul3A_300 = vector.broadcast %mul3A_298 : vector<512x1xf32> to vector<512x32xf32>
    %mul3A_301 = arith.mulf %mul3A_300, %sub3A_299 : vector<512x32xf32>
    %add3A_302 = arith.addf %get3A_276, %mul3A_301 : vector<512x32xf32>
    %swap3A_303 = arith.constant 0 : index
    %swap3A_304 = arith.constant 3584 : index
    %swap3A_305 = arith.constant 0 : index
    %swap3A_306 = vector.load %arg5[%swap3A_303, %swap3A_304, %swap3A_305] : memref<1x4096x32xf32, #tpu.memory_space<vmem>>, vector<1x512x32xf32>
    %swap3A_307 = vector.shape_cast %swap3A_306 : vector<1x512x32xf32> to vector<512x32xf32>
    %swap3A_308 = vector.shape_cast %add3A_302 : vector<512x32xf32> to vector<1x512x32xf32>
    tpu.vector_store %arg5[%swap3A_303, %swap3A_304, %swap3A_305], %swap3A_308 {strides = array<i32>} : memref<1x4096x32xf32, #tpu.memory_space<vmem>>, vector<1x512x32xf32>,
    %get3A_309 = arith.constant 0 : index
    %get3A_310 = arith.constant 0 : index
    %get3A_311 = arith.constant 0 : index
    %get3A_312 = vector.load %arg5[%get3A_309, %get3A_310, %get3A_311] : memref<1x4096x32xf32, #tpu.memory_space<vmem>>, vector<1x512x32xf32>
    %get3A_313 = vector.shape_cast %get3A_312 : vector<1x512x32xf32> to vector<512x32xf32>
    %mul3A_314 = arith.constant -2.000000e+00 : f32
    %mul3A_315 = vector.broadcast %mul3A_314 : f32 to vector<512x32xf32>
    %mul3A_316 = arith.mulf %mul3A_315, %get3A_313 : vector<512x32xf32>
    %dot_general3A = arith.constant dense<0.000000e+00> : vector<512x2048xf32>
    %dot_general3A_317 = tpu.matmul %mul3A_316, %get3A_3, %dot_general3A {dimension_numbers = #tpu.dot_dimension_numbers<[1], [1], [0], [0], [0, 0, 1, 0], [], []>, transpose_lhs_hint = false} : vector<512x32xf32>, vector<2048x32xf32>, vector<512x2048xf32> -> vector<512x2048xf32>
    %add3A_318 = vector.broadcast %broadcast_in_dim3A : vector<1x2048xf32> to vector<512x2048xf32>
    %add3A_319 = arith.addf %dot_general3A_317, %add3A_318 : vector<512x2048xf32>
    %reduce_min3A = arith.constant dense<0x7F800000> : vector<512xf32>
    %reduce_min3A_320 = vector.multi_reduction <minimumf>, %add3A_319, %reduce_min3A [1] : vector<512x2048xf32> to vector<512xf32>
    %broadcast_in_dim3A_321 = vector.shape_cast %reduce_min3A_320 : vector<512xf32> to vector<512x1xf32>
    %le3A = vector.broadcast %broadcast_in_dim3A_321 : vector<512x1xf32> to vector<512x2048xf32>
    %le3A_322 = arith.cmpf ole, %add3A_319, %le3A : vector<512x2048xf32>
    %jit3A = arith.constant 2.048000e+03 : f32
    %broadcast_in_dim3A_323 = vector.broadcast %jit3A : f32 to vector<512x2048xf32>
    %select_n3A = arith.select %le3A_322, %convert_element_type3A, %broadcast_in_dim3A_323 : vector<512x2048xi1>, vector<512x2048xf32>
    %reduce_min3A_324 = arith.constant dense<0x7F800000> : vector<512xf32>
    %reduce_min3A_325 = vector.multi_reduction <minimumf>, %select_n3A, %reduce_min3A_324 [1] : vector<512x2048xf32> to vector<512xf32>
    %broadcast_in_dim3A_326 = vector.shape_cast %reduce_min3A_325 : vector<512xf32> to vector<512x1xf32>
    %mul3A_327 = arith.mulf %get3A_313, %get3A_313 : vector<512x32xf32>
    %reduce_sum3A_328 = arith.constant dense<0.000000e+00> : vector<512xf32>
    %reduce_sum3A_329 = vector.multi_reduction <add>, %mul3A_327, %reduce_sum3A_328 [1] : vector<512x32xf32> to vector<512xf32>
    %broadcast_in_dim3A_330 = vector.shape_cast %reduce_sum3A_329 : vector<512xf32> to vector<512x1xf32>
    %add3A_331 = arith.addf %broadcast_in_dim3A_321, %broadcast_in_dim3A_330 : vector<512x1xf32>
    %convert_element_type3A_332 = arith.fptosi %broadcast_in_dim3A_326 : vector<512x1xf32> to vector<512x1xi32>
    %mul3A_333 = arith.constant 2048 : i32
    %mul3A_334 = arith.muli %arg0, %mul3A_333 : i32
    %add3A_335 = vector.broadcast %mul3A_334 : i32 to vector<512x1xi32>
    %add3A_336 = arith.addi %convert_element_type3A_332, %add3A_335 : vector<512x1xi32>
    %reshape3A = vector.shape_cast %add3A_336 : vector<512x1xi32> to vector<512xi32>
    %swap3A_337 = arith.constant 0 : index
    %swap3A_338 = arith.constant 0 : index
    %swap3A_339 = arith.constant 0 : index
    %swap3A_340 = vector.load %arg6[%swap3A_337, %swap3A_338, %swap3A_339] : memref<1x1x4096xi32, #tpu.memory_space<vmem>>, vector<1x1x512xi32>
    %swap3A_341 = vector.shape_cast %swap3A_340 : vector<1x1x512xi32> to vector<512xi32>
    %swap3A_342 = vector.shape_cast %reshape3A : vector<512xi32> to vector<1x1x512xi32>
    tpu.vector_store %arg6[%swap3A_337, %swap3A_338, %swap3A_339], %swap3A_342 {strides = array<i32>} : memref<1x1x4096xi32, #tpu.memory_space<vmem>>, vector<1x1x512xi32>,
    %swap3A_343 = arith.constant 0 : index
    %swap3A_344 = arith.constant 0 : index
    %swap3A_345 = arith.constant 0 : index
    %swap3A_346 = vector.load %arg7[%swap3A_343, %swap3A_344, %swap3A_345] : memref<1x512x8xf32, #tpu.memory_space<vmem>>, vector<1x512x1xf32>
    %swap3A_347 = vector.shape_cast %swap3A_346 : vector<1x512x1xf32> to vector<512x1xf32>
    %swap3A_348 = vector.shape_cast %add3A_331 : vector<512x1xf32> to vector<1x512x1xf32>
    tpu.vector_store %arg7[%swap3A_343, %swap3A_344, %swap3A_345], %swap3A_348 {strides = array<i32>} : memref<1x512x8xf32, #tpu.memory_space<vmem>>, vector<1x512x1xf32>,
    %get3A_349 = arith.constant 0 : index
    %get3A_350 = arith.constant 512 : index
    %get3A_351 = arith.constant 0 : index
    %get3A_352 = vector.load %arg5[%get3A_349, %get3A_350, %get3A_351] : memref<1x4096x32xf32, #tpu.memory_space<vmem>>, vector<1x512x32xf32>
    %get3A_353 = vector.shape_cast %get3A_352 : vector<1x512x32xf32> to vector<512x32xf32>
    %mul3A_354 = arith.constant -2.000000e+00 : f32
    %mul3A_355 = vector.broadcast %mul3A_354 : f32 to vector<512x32xf32>
    %mul3A_356 = arith.mulf %mul3A_355, %get3A_353 : vector<512x32xf32>
    %dot_general3A_357 = arith.constant dense<0.000000e+00> : vector<512x2048xf32>
    %dot_general3A_358 = tpu.matmul %mul3A_356, %get3A_3, %dot_general3A_357 {dimension_numbers = #tpu.dot_dimension_numbers<[1], [1], [0], [0], [0, 0, 1, 0], [], []>, transpose_lhs_hint = false} : vector<512x32xf32>, vector<2048x32xf32>, vector<512x2048xf32> -> vector<512x2048xf32>
    %add3A_359 = vector.broadcast %broadcast_in_dim3A : vector<1x2048xf32> to vector<512x2048xf32>
    %add3A_360 = arith.addf %dot_general3A_358, %add3A_359 : vector<512x2048xf32>
    %reduce_min3A_361 = arith.constant dense<0x7F800000> : vector<512xf32>
    %reduce_min3A_362 = vector.multi_reduction <minimumf>, %add3A_360, %reduce_min3A_361 [1] : vector<512x2048xf32> to vector<512xf32>
    %broadcast_in_dim3A_363 = vector.shape_cast %reduce_min3A_362 : vector<512xf32> to vector<512x1xf32>
    %le3A_364 = vector.broadcast %broadcast_in_dim3A_363 : vector<512x1xf32> to vector<512x2048xf32>
    %le3A_365 = arith.cmpf ole, %add3A_360, %le3A_364 : vector<512x2048xf32>
    %jit3A_366 = arith.constant 2.048000e+03 : f32
    %broadcast_in_dim3A_367 = vector.broadcast %jit3A_366 : f32 to vector<512x2048xf32>
    %select_n3A_368 = arith.select %le3A_365, %convert_element_type3A, %broadcast_in_dim3A_367 : vector<512x2048xi1>, vector<512x2048xf32>
    %reduce_min3A_369 = arith.constant dense<0x7F800000> : vector<512xf32>
    %reduce_min3A_370 = vector.multi_reduction <minimumf>, %select_n3A_368, %reduce_min3A_369 [1] : vector<512x2048xf32> to vector<512xf32>
    %broadcast_in_dim3A_371 = vector.shape_cast %reduce_min3A_370 : vector<512xf32> to vector<512x1xf32>
    %mul3A_372 = arith.mulf %get3A_353, %get3A_353 : vector<512x32xf32>
    %reduce_sum3A_373 = arith.constant dense<0.000000e+00> : vector<512xf32>
    %reduce_sum3A_374 = vector.multi_reduction <add>, %mul3A_372, %reduce_sum3A_373 [1] : vector<512x32xf32> to vector<512xf32>
    %broadcast_in_dim3A_375 = vector.shape_cast %reduce_sum3A_374 : vector<512xf32> to vector<512x1xf32>
    %add3A_376 = arith.addf %broadcast_in_dim3A_363, %broadcast_in_dim3A_375 : vector<512x1xf32>
    %convert_element_type3A_377 = arith.fptosi %broadcast_in_dim3A_371 : vector<512x1xf32> to vector<512x1xi32>
    %mul3A_378 = arith.constant 2048 : i32
    %mul3A_379 = arith.muli %arg0, %mul3A_378 : i32
    %add3A_380 = vector.broadcast %mul3A_379 : i32 to vector<512x1xi32>
    %add3A_381 = arith.addi %convert_element_type3A_377, %add3A_380 : vector<512x1xi32>
    %reshape3A_382 = vector.shape_cast %add3A_381 : vector<512x1xi32> to vector<512xi32>
    %swap3A_383 = arith.constant 0 : index
    %swap3A_384 = arith.constant 0 : index
    %swap3A_385 = arith.constant 512 : index
    %swap3A_386 = vector.load %arg6[%swap3A_383, %swap3A_384, %swap3A_385] : memref<1x1x4096xi32, #tpu.memory_space<vmem>>, vector<1x1x512xi32>
    %swap3A_387 = vector.shape_cast %swap3A_386 : vector<1x1x512xi32> to vector<512xi32>
    %swap3A_388 = vector.shape_cast %reshape3A_382 : vector<512xi32> to vector<1x1x512xi32>
    tpu.vector_store %arg6[%swap3A_383, %swap3A_384, %swap3A_385], %swap3A_388 {strides = array<i32>} : memref<1x1x4096xi32, #tpu.memory_space<vmem>>, vector<1x1x512xi32>,
    %swap3A_389 = arith.constant 0 : index
    %swap3A_390 = arith.constant 0 : index
    %swap3A_391 = arith.constant 1 : index
    %swap3A_392 = vector.load %arg7[%swap3A_389, %swap3A_390, %swap3A_391] : memref<1x512x8xf32, #tpu.memory_space<vmem>>, vector<1x512x1xf32>
    %swap3A_393 = vector.shape_cast %swap3A_392 : vector<1x512x1xf32> to vector<512x1xf32>
    %swap3A_394 = vector.shape_cast %add3A_376 : vector<512x1xf32> to vector<1x512x1xf32>
    tpu.vector_store %arg7[%swap3A_389, %swap3A_390, %swap3A_391], %swap3A_394 {strides = array<i32>} : memref<1x512x8xf32, #tpu.memory_space<vmem>>, vector<1x512x1xf32>,
    %get3A_395 = arith.constant 0 : index
    %get3A_396 = arith.constant 1024 : index
    %get3A_397 = arith.constant 0 : index
    %get3A_398 = vector.load %arg5[%get3A_395, %get3A_396, %get3A_397] : memref<1x4096x32xf32, #tpu.memory_space<vmem>>, vector<1x512x32xf32>
    %get3A_399 = vector.shape_cast %get3A_398 : vector<1x512x32xf32> to vector<512x32xf32>
    %mul3A_400 = arith.constant -2.000000e+00 : f32
    %mul3A_401 = vector.broadcast %mul3A_400 : f32 to vector<512x32xf32>
    %mul3A_402 = arith.mulf %mul3A_401, %get3A_399 : vector<512x32xf32>
    %dot_general3A_403 = arith.constant dense<0.000000e+00> : vector<512x2048xf32>
    %dot_general3A_404 = tpu.matmul %mul3A_402, %get3A_3, %dot_general3A_403 {dimension_numbers = #tpu.dot_dimension_numbers<[1], [1], [0], [0], [0, 0, 1, 0], [], []>, transpose_lhs_hint = false} : vector<512x32xf32>, vector<2048x32xf32>, vector<512x2048xf32> -> vector<512x2048xf32>
    %add3A_405 = vector.broadcast %broadcast_in_dim3A : vector<1x2048xf32> to vector<512x2048xf32>
    %add3A_406 = arith.addf %dot_general3A_404, %add3A_405 : vector<512x2048xf32>
    %reduce_min3A_407 = arith.constant dense<0x7F800000> : vector<512xf32>
    %reduce_min3A_408 = vector.multi_reduction <minimumf>, %add3A_406, %reduce_min3A_407 [1] : vector<512x2048xf32> to vector<512xf32>
    %broadcast_in_dim3A_409 = vector.shape_cast %reduce_min3A_408 : vector<512xf32> to vector<512x1xf32>
    %le3A_410 = vector.broadcast %broadcast_in_dim3A_409 : vector<512x1xf32> to vector<512x2048xf32>
    %le3A_411 = arith.cmpf ole, %add3A_406, %le3A_410 : vector<512x2048xf32>
    %jit3A_412 = arith.constant 2.048000e+03 : f32
    %broadcast_in_dim3A_413 = vector.broadcast %jit3A_412 : f32 to vector<512x2048xf32>
    %select_n3A_414 = arith.select %le3A_411, %convert_element_type3A, %broadcast_in_dim3A_413 : vector<512x2048xi1>, vector<512x2048xf32>
    %reduce_min3A_415 = arith.constant dense<0x7F800000> : vector<512xf32>
    %reduce_min3A_416 = vector.multi_reduction <minimumf>, %select_n3A_414, %reduce_min3A_415 [1] : vector<512x2048xf32> to vector<512xf32>
    %broadcast_in_dim3A_417 = vector.shape_cast %reduce_min3A_416 : vector<512xf32> to vector<512x1xf32>
    %mul3A_418 = arith.mulf %get3A_399, %get3A_399 : vector<512x32xf32>
    %reduce_sum3A_419 = arith.constant dense<0.000000e+00> : vector<512xf32>
    %reduce_sum3A_420 = vector.multi_reduction <add>, %mul3A_418, %reduce_sum3A_419 [1] : vector<512x32xf32> to vector<512xf32>
    %broadcast_in_dim3A_421 = vector.shape_cast %reduce_sum3A_420 : vector<512xf32> to vector<512x1xf32>
    %add3A_422 = arith.addf %broadcast_in_dim3A_409, %broadcast_in_dim3A_421 : vector<512x1xf32>
    %convert_element_type3A_423 = arith.fptosi %broadcast_in_dim3A_417 : vector<512x1xf32> to vector<512x1xi32>
    %mul3A_424 = arith.constant 2048 : i32
    %mul3A_425 = arith.muli %arg0, %mul3A_424 : i32
    %add3A_426 = vector.broadcast %mul3A_425 : i32 to vector<512x1xi32>
    %add3A_427 = arith.addi %convert_element_type3A_423, %add3A_426 : vector<512x1xi32>
    %reshape3A_428 = vector.shape_cast %add3A_427 : vector<512x1xi32> to vector<512xi32>
    %swap3A_429 = arith.constant 0 : index
    %swap3A_430 = arith.constant 0 : index
    %swap3A_431 = arith.constant 1024 : index
    %swap3A_432 = vector.load %arg6[%swap3A_429, %swap3A_430, %swap3A_431] : memref<1x1x4096xi32, #tpu.memory_space<vmem>>, vector<1x1x512xi32>
    %swap3A_433 = vector.shape_cast %swap3A_432 : vector<1x1x512xi32> to vector<512xi32>
    %swap3A_434 = vector.shape_cast %reshape3A_428 : vector<512xi32> to vector<1x1x512xi32>
    tpu.vector_store %arg6[%swap3A_429, %swap3A_430, %swap3A_431], %swap3A_434 {strides = array<i32>} : memref<1x1x4096xi32, #tpu.memory_space<vmem>>, vector<1x1x512xi32>,
    %swap3A_435 = arith.constant 0 : index
    %swap3A_436 = arith.constant 0 : index
    %swap3A_437 = arith.constant 2 : index
    %swap3A_438 = vector.load %arg7[%swap3A_435, %swap3A_436, %swap3A_437] : memref<1x512x8xf32, #tpu.memory_space<vmem>>, vector<1x512x1xf32>
    %swap3A_439 = vector.shape_cast %swap3A_438 : vector<1x512x1xf32> to vector<512x1xf32>
    %swap3A_440 = vector.shape_cast %add3A_422 : vector<512x1xf32> to vector<1x512x1xf32>
    tpu.vector_store %arg7[%swap3A_435, %swap3A_436, %swap3A_437], %swap3A_440 {strides = array<i32>} : memref<1x512x8xf32, #tpu.memory_space<vmem>>, vector<1x512x1xf32>,
    %get3A_441 = arith.constant 0 : index
    %get3A_442 = arith.constant 1536 : index
    %get3A_443 = arith.constant 0 : index
    %get3A_444 = vector.load %arg5[%get3A_441, %get3A_442, %get3A_443] : memref<1x4096x32xf32, #tpu.memory_space<vmem>>, vector<1x512x32xf32>
    %get3A_445 = vector.shape_cast %get3A_444 : vector<1x512x32xf32> to vector<512x32xf32>
    %mul3A_446 = arith.constant -2.000000e+00 : f32
    %mul3A_447 = vector.broadcast %mul3A_446 : f32 to vector<512x32xf32>
    %mul3A_448 = arith.mulf %mul3A_447, %get3A_445 : vector<512x32xf32>
    %dot_general3A_449 = arith.constant dense<0.000000e+00> : vector<512x2048xf32>
    %dot_general3A_450 = tpu.matmul %mul3A_448, %get3A_3, %dot_general3A_449 {dimension_numbers = #tpu.dot_dimension_numbers<[1], [1], [0], [0], [0, 0, 1, 0], [], []>, transpose_lhs_hint = false} : vector<512x32xf32>, vector<2048x32xf32>, vector<512x2048xf32> -> vector<512x2048xf32>
    %add3A_451 = vector.broadcast %broadcast_in_dim3A : vector<1x2048xf32> to vector<512x2048xf32>
    %add3A_452 = arith.addf %dot_general3A_450, %add3A_451 : vector<512x2048xf32>
    %reduce_min3A_453 = arith.constant dense<0x7F800000> : vector<512xf32>
    %reduce_min3A_454 = vector.multi_reduction <minimumf>, %add3A_452, %reduce_min3A_453 [1] : vector<512x2048xf32> to vector<512xf32>
    %broadcast_in_dim3A_455 = vector.shape_cast %reduce_min3A_454 : vector<512xf32> to vector<512x1xf32>
    %le3A_456 = vector.broadcast %broadcast_in_dim3A_455 : vector<512x1xf32> to vector<512x2048xf32>
    %le3A_457 = arith.cmpf ole, %add3A_452, %le3A_456 : vector<512x2048xf32>
    %jit3A_458 = arith.constant 2.048000e+03 : f32
    %broadcast_in_dim3A_459 = vector.broadcast %jit3A_458 : f32 to vector<512x2048xf32>
    %select_n3A_460 = arith.select %le3A_457, %convert_element_type3A, %broadcast_in_dim3A_459 : vector<512x2048xi1>, vector<512x2048xf32>
    %reduce_min3A_461 = arith.constant dense<0x7F800000> : vector<512xf32>
    %reduce_min3A_462 = vector.multi_reduction <minimumf>, %select_n3A_460, %reduce_min3A_461 [1] : vector<512x2048xf32> to vector<512xf32>
    %broadcast_in_dim3A_463 = vector.shape_cast %reduce_min3A_462 : vector<512xf32> to vector<512x1xf32>
    %mul3A_464 = arith.mulf %get3A_445, %get3A_445 : vector<512x32xf32>
    %reduce_sum3A_465 = arith.constant dense<0.000000e+00> : vector<512xf32>
    %reduce_sum3A_466 = vector.multi_reduction <add>, %mul3A_464, %reduce_sum3A_465 [1] : vector<512x32xf32> to vector<512xf32>
    %broadcast_in_dim3A_467 = vector.shape_cast %reduce_sum3A_466 : vector<512xf32> to vector<512x1xf32>
    %add3A_468 = arith.addf %broadcast_in_dim3A_455, %broadcast_in_dim3A_467 : vector<512x1xf32>
    %convert_element_type3A_469 = arith.fptosi %broadcast_in_dim3A_463 : vector<512x1xf32> to vector<512x1xi32>
    %mul3A_470 = arith.constant 2048 : i32
    %mul3A_471 = arith.muli %arg0, %mul3A_470 : i32
    %add3A_472 = vector.broadcast %mul3A_471 : i32 to vector<512x1xi32>
    %add3A_473 = arith.addi %convert_element_type3A_469, %add3A_472 : vector<512x1xi32>
    %reshape3A_474 = vector.shape_cast %add3A_473 : vector<512x1xi32> to vector<512xi32>
    %swap3A_475 = arith.constant 0 : index
    %swap3A_476 = arith.constant 0 : index
    %swap3A_477 = arith.constant 1536 : index
    %swap3A_478 = vector.load %arg6[%swap3A_475, %swap3A_476, %swap3A_477] : memref<1x1x4096xi32, #tpu.memory_space<vmem>>, vector<1x1x512xi32>
    %swap3A_479 = vector.shape_cast %swap3A_478 : vector<1x1x512xi32> to vector<512xi32>
    %swap3A_480 = vector.shape_cast %reshape3A_474 : vector<512xi32> to vector<1x1x512xi32>
    tpu.vector_store %arg6[%swap3A_475, %swap3A_476, %swap3A_477], %swap3A_480 {strides = array<i32>} : memref<1x1x4096xi32, #tpu.memory_space<vmem>>, vector<1x1x512xi32>,
    %swap3A_481 = arith.constant 0 : index
    %swap3A_482 = arith.constant 0 : index
    %swap3A_483 = arith.constant 3 : index
    %swap3A_484 = vector.load %arg7[%swap3A_481, %swap3A_482, %swap3A_483] : memref<1x512x8xf32, #tpu.memory_space<vmem>>, vector<1x512x1xf32>
    %swap3A_485 = vector.shape_cast %swap3A_484 : vector<1x512x1xf32> to vector<512x1xf32>
    %swap3A_486 = vector.shape_cast %add3A_468 : vector<512x1xf32> to vector<1x512x1xf32>
    tpu.vector_store %arg7[%swap3A_481, %swap3A_482, %swap3A_483], %swap3A_486 {strides = array<i32>} : memref<1x512x8xf32, #tpu.memory_space<vmem>>, vector<1x512x1xf32>,
    %get3A_487 = arith.constant 0 : index
    %get3A_488 = arith.constant 2048 : index
    %get3A_489 = arith.constant 0 : index
    %get3A_490 = vector.load %arg5[%get3A_487, %get3A_488, %get3A_489] : memref<1x4096x32xf32, #tpu.memory_space<vmem>>, vector<1x512x32xf32>
    %get3A_491 = vector.shape_cast %get3A_490 : vector<1x512x32xf32> to vector<512x32xf32>
    %mul3A_492 = arith.constant -2.000000e+00 : f32
    %mul3A_493 = vector.broadcast %mul3A_492 : f32 to vector<512x32xf32>
    %mul3A_494 = arith.mulf %mul3A_493, %get3A_491 : vector<512x32xf32>
    %dot_general3A_495 = arith.constant dense<0.000000e+00> : vector<512x2048xf32>
    %dot_general3A_496 = tpu.matmul %mul3A_494, %get3A_3, %dot_general3A_495 {dimension_numbers = #tpu.dot_dimension_numbers<[1], [1], [0], [0], [0, 0, 1, 0], [], []>, transpose_lhs_hint = false} : vector<512x32xf32>, vector<2048x32xf32>, vector<512x2048xf32> -> vector<512x2048xf32>
    %add3A_497 = vector.broadcast %broadcast_in_dim3A : vector<1x2048xf32> to vector<512x2048xf32>
    %add3A_498 = arith.addf %dot_general3A_496, %add3A_497 : vector<512x2048xf32>
    %reduce_min3A_499 = arith.constant dense<0x7F800000> : vector<512xf32>
    %reduce_min3A_500 = vector.multi_reduction <minimumf>, %add3A_498, %reduce_min3A_499 [1] : vector<512x2048xf32> to vector<512xf32>
    %broadcast_in_dim3A_501 = vector.shape_cast %reduce_min3A_500 : vector<512xf32> to vector<512x1xf32>
    %le3A_502 = vector.broadcast %broadcast_in_dim3A_501 : vector<512x1xf32> to vector<512x2048xf32>
    %le3A_503 = arith.cmpf ole, %add3A_498, %le3A_502 : vector<512x2048xf32>
    %jit3A_504 = arith.constant 2.048000e+03 : f32
    %broadcast_in_dim3A_505 = vector.broadcast %jit3A_504 : f32 to vector<512x2048xf32>
    %select_n3A_506 = arith.select %le3A_503, %convert_element_type3A, %broadcast_in_dim3A_505 : vector<512x2048xi1>, vector<512x2048xf32>
    %reduce_min3A_507 = arith.constant dense<0x7F800000> : vector<512xf32>
    %reduce_min3A_508 = vector.multi_reduction <minimumf>, %select_n3A_506, %reduce_min3A_507 [1] : vector<512x2048xf32> to vector<512xf32>
    %broadcast_in_dim3A_509 = vector.shape_cast %reduce_min3A_508 : vector<512xf32> to vector<512x1xf32>
    %mul3A_510 = arith.mulf %get3A_491, %get3A_491 : vector<512x32xf32>
    %reduce_sum3A_511 = arith.constant dense<0.000000e+00> : vector<512xf32>
    %reduce_sum3A_512 = vector.multi_reduction <add>, %mul3A_510, %reduce_sum3A_511 [1] : vector<512x32xf32> to vector<512xf32>
    %broadcast_in_dim3A_513 = vector.shape_cast %reduce_sum3A_512 : vector<512xf32> to vector<512x1xf32>
    %add3A_514 = arith.addf %broadcast_in_dim3A_501, %broadcast_in_dim3A_513 : vector<512x1xf32>
    %convert_element_type3A_515 = arith.fptosi %broadcast_in_dim3A_509 : vector<512x1xf32> to vector<512x1xi32>
    %mul3A_516 = arith.constant 2048 : i32
    %mul3A_517 = arith.muli %arg0, %mul3A_516 : i32
    %add3A_518 = vector.broadcast %mul3A_517 : i32 to vector<512x1xi32>
    %add3A_519 = arith.addi %convert_element_type3A_515, %add3A_518 : vector<512x1xi32>
    %reshape3A_520 = vector.shape_cast %add3A_519 : vector<512x1xi32> to vector<512xi32>
    %swap3A_521 = arith.constant 0 : index
    %swap3A_522 = arith.constant 0 : index
    %swap3A_523 = arith.constant 2048 : index
    %swap3A_524 = vector.load %arg6[%swap3A_521, %swap3A_522, %swap3A_523] : memref<1x1x4096xi32, #tpu.memory_space<vmem>>, vector<1x1x512xi32>
    %swap3A_525 = vector.shape_cast %swap3A_524 : vector<1x1x512xi32> to vector<512xi32>
    %swap3A_526 = vector.shape_cast %reshape3A_520 : vector<512xi32> to vector<1x1x512xi32>
    tpu.vector_store %arg6[%swap3A_521, %swap3A_522, %swap3A_523], %swap3A_526 {strides = array<i32>} : memref<1x1x4096xi32, #tpu.memory_space<vmem>>, vector<1x1x512xi32>,
    %swap3A_527 = arith.constant 0 : index
    %swap3A_528 = arith.constant 0 : index
    %swap3A_529 = arith.constant 4 : index
    %swap3A_530 = vector.load %arg7[%swap3A_527, %swap3A_528, %swap3A_529] : memref<1x512x8xf32, #tpu.memory_space<vmem>>, vector<1x512x1xf32>
    %swap3A_531 = vector.shape_cast %swap3A_530 : vector<1x512x1xf32> to vector<512x1xf32>
    %swap3A_532 = vector.shape_cast %add3A_514 : vector<512x1xf32> to vector<1x512x1xf32>
    tpu.vector_store %arg7[%swap3A_527, %swap3A_528, %swap3A_529], %swap3A_532 {strides = array<i32>} : memref<1x512x8xf32, #tpu.memory_space<vmem>>, vector<1x512x1xf32>,
    %get3A_533 = arith.constant 0 : index
    %get3A_534 = arith.constant 2560 : index
    %get3A_535 = arith.constant 0 : index
    %get3A_536 = vector.load %arg5[%get3A_533, %get3A_534, %get3A_535] : memref<1x4096x32xf32, #tpu.memory_space<vmem>>, vector<1x512x32xf32>
    %get3A_537 = vector.shape_cast %get3A_536 : vector<1x512x32xf32> to vector<512x32xf32>
    %mul3A_538 = arith.constant -2.000000e+00 : f32
    %mul3A_539 = vector.broadcast %mul3A_538 : f32 to vector<512x32xf32>
    %mul3A_540 = arith.mulf %mul3A_539, %get3A_537 : vector<512x32xf32>
    %dot_general3A_541 = arith.constant dense<0.000000e+00> : vector<512x2048xf32>
    %dot_general3A_542 = tpu.matmul %mul3A_540, %get3A_3, %dot_general3A_541 {dimension_numbers = #tpu.dot_dimension_numbers<[1], [1], [0], [0], [0, 0, 1, 0], [], []>, transpose_lhs_hint = false} : vector<512x32xf32>, vector<2048x32xf32>, vector<512x2048xf32> -> vector<512x2048xf32>
    %add3A_543 = vector.broadcast %broadcast_in_dim3A : vector<1x2048xf32> to vector<512x2048xf32>
    %add3A_544 = arith.addf %dot_general3A_542, %add3A_543 : vector<512x2048xf32>
    %reduce_min3A_545 = arith.constant dense<0x7F800000> : vector<512xf32>
    %reduce_min3A_546 = vector.multi_reduction <minimumf>, %add3A_544, %reduce_min3A_545 [1] : vector<512x2048xf32> to vector<512xf32>
    %broadcast_in_dim3A_547 = vector.shape_cast %reduce_min3A_546 : vector<512xf32> to vector<512x1xf32>
    %le3A_548 = vector.broadcast %broadcast_in_dim3A_547 : vector<512x1xf32> to vector<512x2048xf32>
    %le3A_549 = arith.cmpf ole, %add3A_544, %le3A_548 : vector<512x2048xf32>
    %jit3A_550 = arith.constant 2.048000e+03 : f32
    %broadcast_in_dim3A_551 = vector.broadcast %jit3A_550 : f32 to vector<512x2048xf32>
    %select_n3A_552 = arith.select %le3A_549, %convert_element_type3A, %broadcast_in_dim3A_551 : vector<512x2048xi1>, vector<512x2048xf32>
    %reduce_min3A_553 = arith.constant dense<0x7F800000> : vector<512xf32>
    %reduce_min3A_554 = vector.multi_reduction <minimumf>, %select_n3A_552, %reduce_min3A_553 [1] : vector<512x2048xf32> to vector<512xf32>
    %broadcast_in_dim3A_555 = vector.shape_cast %reduce_min3A_554 : vector<512xf32> to vector<512x1xf32>
    %mul3A_556 = arith.mulf %get3A_537, %get3A_537 : vector<512x32xf32>
    %reduce_sum3A_557 = arith.constant dense<0.000000e+00> : vector<512xf32>
    %reduce_sum3A_558 = vector.multi_reduction <add>, %mul3A_556, %reduce_sum3A_557 [1] : vector<512x32xf32> to vector<512xf32>
    %broadcast_in_dim3A_559 = vector.shape_cast %reduce_sum3A_558 : vector<512xf32> to vector<512x1xf32>
    %add3A_560 = arith.addf %broadcast_in_dim3A_547, %broadcast_in_dim3A_559 : vector<512x1xf32>
    %convert_element_type3A_561 = arith.fptosi %broadcast_in_dim3A_555 : vector<512x1xf32> to vector<512x1xi32>
    %mul3A_562 = arith.constant 2048 : i32
    %mul3A_563 = arith.muli %arg0, %mul3A_562 : i32
    %add3A_564 = vector.broadcast %mul3A_563 : i32 to vector<512x1xi32>
    %add3A_565 = arith.addi %convert_element_type3A_561, %add3A_564 : vector<512x1xi32>
    %reshape3A_566 = vector.shape_cast %add3A_565 : vector<512x1xi32> to vector<512xi32>
    %swap3A_567 = arith.constant 0 : index
    %swap3A_568 = arith.constant 0 : index
    %swap3A_569 = arith.constant 2560 : index
    %swap3A_570 = vector.load %arg6[%swap3A_567, %swap3A_568, %swap3A_569] : memref<1x1x4096xi32, #tpu.memory_space<vmem>>, vector<1x1x512xi32>
    %swap3A_571 = vector.shape_cast %swap3A_570 : vector<1x1x512xi32> to vector<512xi32>
    %swap3A_572 = vector.shape_cast %reshape3A_566 : vector<512xi32> to vector<1x1x512xi32>
    tpu.vector_store %arg6[%swap3A_567, %swap3A_568, %swap3A_569], %swap3A_572 {strides = array<i32>} : memref<1x1x4096xi32, #tpu.memory_space<vmem>>, vector<1x1x512xi32>,
    %swap3A_573 = arith.constant 0 : index
    %swap3A_574 = arith.constant 0 : index
    %swap3A_575 = arith.constant 5 : index
    %swap3A_576 = vector.load %arg7[%swap3A_573, %swap3A_574, %swap3A_575] : memref<1x512x8xf32, #tpu.memory_space<vmem>>, vector<1x512x1xf32>
    %swap3A_577 = vector.shape_cast %swap3A_576 : vector<1x512x1xf32> to vector<512x1xf32>
    %swap3A_578 = vector.shape_cast %add3A_560 : vector<512x1xf32> to vector<1x512x1xf32>
    tpu.vector_store %arg7[%swap3A_573, %swap3A_574, %swap3A_575], %swap3A_578 {strides = array<i32>} : memref<1x512x8xf32, #tpu.memory_space<vmem>>, vector<1x512x1xf32>,
    %get3A_579 = arith.constant 0 : index
    %get3A_580 = arith.constant 3072 : index
    %get3A_581 = arith.constant 0 : index
    %get3A_582 = vector.load %arg5[%get3A_579, %get3A_580, %get3A_581] : memref<1x4096x32xf32, #tpu.memory_space<vmem>>, vector<1x512x32xf32>
    %get3A_583 = vector.shape_cast %get3A_582 : vector<1x512x32xf32> to vector<512x32xf32>
    %mul3A_584 = arith.constant -2.000000e+00 : f32
    %mul3A_585 = vector.broadcast %mul3A_584 : f32 to vector<512x32xf32>
    %mul3A_586 = arith.mulf %mul3A_585, %get3A_583 : vector<512x32xf32>
    %dot_general3A_587 = arith.constant dense<0.000000e+00> : vector<512x2048xf32>
    %dot_general3A_588 = tpu.matmul %mul3A_586, %get3A_3, %dot_general3A_587 {dimension_numbers = #tpu.dot_dimension_numbers<[1], [1], [0], [0], [0, 0, 1, 0], [], []>, transpose_lhs_hint = false} : vector<512x32xf32>, vector<2048x32xf32>, vector<512x2048xf32> -> vector<512x2048xf32>
    %add3A_589 = vector.broadcast %broadcast_in_dim3A : vector<1x2048xf32> to vector<512x2048xf32>
    %add3A_590 = arith.addf %dot_general3A_588, %add3A_589 : vector<512x2048xf32>
    %reduce_min3A_591 = arith.constant dense<0x7F800000> : vector<512xf32>
    %reduce_min3A_592 = vector.multi_reduction <minimumf>, %add3A_590, %reduce_min3A_591 [1] : vector<512x2048xf32> to vector<512xf32>
    %broadcast_in_dim3A_593 = vector.shape_cast %reduce_min3A_592 : vector<512xf32> to vector<512x1xf32>
    %le3A_594 = vector.broadcast %broadcast_in_dim3A_593 : vector<512x1xf32> to vector<512x2048xf32>
    %le3A_595 = arith.cmpf ole, %add3A_590, %le3A_594 : vector<512x2048xf32>
    %jit3A_596 = arith.constant 2.048000e+03 : f32
    %broadcast_in_dim3A_597 = vector.broadcast %jit3A_596 : f32 to vector<512x2048xf32>
    %select_n3A_598 = arith.select %le3A_595, %convert_element_type3A, %broadcast_in_dim3A_597 : vector<512x2048xi1>, vector<512x2048xf32>
    %reduce_min3A_599 = arith.constant dense<0x7F800000> : vector<512xf32>
    %reduce_min3A_600 = vector.multi_reduction <minimumf>, %select_n3A_598, %reduce_min3A_599 [1] : vector<512x2048xf32> to vector<512xf32>
    %broadcast_in_dim3A_601 = vector.shape_cast %reduce_min3A_600 : vector<512xf32> to vector<512x1xf32>
    %mul3A_602 = arith.mulf %get3A_583, %get3A_583 : vector<512x32xf32>
    %reduce_sum3A_603 = arith.constant dense<0.000000e+00> : vector<512xf32>
    %reduce_sum3A_604 = vector.multi_reduction <add>, %mul3A_602, %reduce_sum3A_603 [1] : vector<512x32xf32> to vector<512xf32>
    %broadcast_in_dim3A_605 = vector.shape_cast %reduce_sum3A_604 : vector<512xf32> to vector<512x1xf32>
    %add3A_606 = arith.addf %broadcast_in_dim3A_593, %broadcast_in_dim3A_605 : vector<512x1xf32>
    %convert_element_type3A_607 = arith.fptosi %broadcast_in_dim3A_601 : vector<512x1xf32> to vector<512x1xi32>
    %mul3A_608 = arith.constant 2048 : i32
    %mul3A_609 = arith.muli %arg0, %mul3A_608 : i32
    %add3A_610 = vector.broadcast %mul3A_609 : i32 to vector<512x1xi32>
    %add3A_611 = arith.addi %convert_element_type3A_607, %add3A_610 : vector<512x1xi32>
    %reshape3A_612 = vector.shape_cast %add3A_611 : vector<512x1xi32> to vector<512xi32>
    %swap3A_613 = arith.constant 0 : index
    %swap3A_614 = arith.constant 0 : index
    %swap3A_615 = arith.constant 3072 : index
    %swap3A_616 = vector.load %arg6[%swap3A_613, %swap3A_614, %swap3A_615] : memref<1x1x4096xi32, #tpu.memory_space<vmem>>, vector<1x1x512xi32>
    %swap3A_617 = vector.shape_cast %swap3A_616 : vector<1x1x512xi32> to vector<512xi32>
    %swap3A_618 = vector.shape_cast %reshape3A_612 : vector<512xi32> to vector<1x1x512xi32>
    tpu.vector_store %arg6[%swap3A_613, %swap3A_614, %swap3A_615], %swap3A_618 {strides = array<i32>} : memref<1x1x4096xi32, #tpu.memory_space<vmem>>, vector<1x1x512xi32>,
    %swap3A_619 = arith.constant 0 : index
    %swap3A_620 = arith.constant 0 : index
    %swap3A_621 = arith.constant 6 : index
    %swap3A_622 = vector.load %arg7[%swap3A_619, %swap3A_620, %swap3A_621] : memref<1x512x8xf32, #tpu.memory_space<vmem>>, vector<1x512x1xf32>
    %swap3A_623 = vector.shape_cast %swap3A_622 : vector<1x512x1xf32> to vector<512x1xf32>
    %swap3A_624 = vector.shape_cast %add3A_606 : vector<512x1xf32> to vector<1x512x1xf32>
    tpu.vector_store %arg7[%swap3A_619, %swap3A_620, %swap3A_621], %swap3A_624 {strides = array<i32>} : memref<1x512x8xf32, #tpu.memory_space<vmem>>, vector<1x512x1xf32>,
    %get3A_625 = arith.constant 0 : index
    %get3A_626 = arith.constant 3584 : index
    %get3A_627 = arith.constant 0 : index
    %get3A_628 = vector.load %arg5[%get3A_625, %get3A_626, %get3A_627] : memref<1x4096x32xf32, #tpu.memory_space<vmem>>, vector<1x512x32xf32>
    %get3A_629 = vector.shape_cast %get3A_628 : vector<1x512x32xf32> to vector<512x32xf32>
    %mul3A_630 = arith.constant -2.000000e+00 : f32
    %mul3A_631 = vector.broadcast %mul3A_630 : f32 to vector<512x32xf32>
    %mul3A_632 = arith.mulf %mul3A_631, %get3A_629 : vector<512x32xf32>
    %dot_general3A_633 = arith.constant dense<0.000000e+00> : vector<512x2048xf32>
    %dot_general3A_634 = tpu.matmul %mul3A_632, %get3A_3, %dot_general3A_633 {dimension_numbers = #tpu.dot_dimension_numbers<[1], [1], [0], [0], [0, 0, 1, 0], [], []>, transpose_lhs_hint = false} : vector<512x32xf32>, vector<2048x32xf32>, vector<512x2048xf32> -> vector<512x2048xf32>
    %add3A_635 = vector.broadcast %broadcast_in_dim3A : vector<1x2048xf32> to vector<512x2048xf32>
    %add3A_636 = arith.addf %dot_general3A_634, %add3A_635 : vector<512x2048xf32>
    %reduce_min3A_637 = arith.constant dense<0x7F800000> : vector<512xf32>
    %reduce_min3A_638 = vector.multi_reduction <minimumf>, %add3A_636, %reduce_min3A_637 [1] : vector<512x2048xf32> to vector<512xf32>
    %broadcast_in_dim3A_639 = vector.shape_cast %reduce_min3A_638 : vector<512xf32> to vector<512x1xf32>
    %le3A_640 = vector.broadcast %broadcast_in_dim3A_639 : vector<512x1xf32> to vector<512x2048xf32>
    %le3A_641 = arith.cmpf ole, %add3A_636, %le3A_640 : vector<512x2048xf32>
    %jit3A_642 = arith.constant 2.048000e+03 : f32
    %broadcast_in_dim3A_643 = vector.broadcast %jit3A_642 : f32 to vector<512x2048xf32>
    %select_n3A_644 = arith.select %le3A_641, %convert_element_type3A, %broadcast_in_dim3A_643 : vector<512x2048xi1>, vector<512x2048xf32>
    %reduce_min3A_645 = arith.constant dense<0x7F800000> : vector<512xf32>
    %reduce_min3A_646 = vector.multi_reduction <minimumf>, %select_n3A_644, %reduce_min3A_645 [1] : vector<512x2048xf32> to vector<512xf32>
    %broadcast_in_dim3A_647 = vector.shape_cast %reduce_min3A_646 : vector<512xf32> to vector<512x1xf32>
    %mul3A_648 = arith.mulf %get3A_629, %get3A_629 : vector<512x32xf32>
    %reduce_sum3A_649 = arith.constant dense<0.000000e+00> : vector<512xf32>
    %reduce_sum3A_650 = vector.multi_reduction <add>, %mul3A_648, %reduce_sum3A_649 [1] : vector<512x32xf32> to vector<512xf32>
    %broadcast_in_dim3A_651 = vector.shape_cast %reduce_sum3A_650 : vector<512xf32> to vector<512x1xf32>
    %add3A_652 = arith.addf %broadcast_in_dim3A_639, %broadcast_in_dim3A_651 : vector<512x1xf32>
    %convert_element_type3A_653 = arith.fptosi %broadcast_in_dim3A_647 : vector<512x1xf32> to vector<512x1xi32>
    %mul3A_654 = arith.constant 2048 : i32
    %mul3A_655 = arith.muli %arg0, %mul3A_654 : i32
    %add3A_656 = vector.broadcast %mul3A_655 : i32 to vector<512x1xi32>
    %add3A_657 = arith.addi %convert_element_type3A_653, %add3A_656 : vector<512x1xi32>
    %reshape3A_658 = vector.shape_cast %add3A_657 : vector<512x1xi32> to vector<512xi32>
    %swap3A_659 = arith.constant 0 : index
    %swap3A_660 = arith.constant 0 : index
    %swap3A_661 = arith.constant 3584 : index
    %swap3A_662 = vector.load %arg6[%swap3A_659, %swap3A_660, %swap3A_661] : memref<1x1x4096xi32, #tpu.memory_space<vmem>>, vector<1x1x512xi32>
    %swap3A_663 = vector.shape_cast %swap3A_662 : vector<1x1x512xi32> to vector<512xi32>
    %swap3A_664 = vector.shape_cast %reshape3A_658 : vector<512xi32> to vector<1x1x512xi32>
    tpu.vector_store %arg6[%swap3A_659, %swap3A_660, %swap3A_661], %swap3A_664 {strides = array<i32>} : memref<1x1x4096xi32, #tpu.memory_space<vmem>>, vector<1x1x512xi32>,
    %swap3A_665 = arith.constant 0 : index
    %swap3A_666 = arith.constant 0 : index
    %swap3A_667 = arith.constant 7 : index
    %swap3A_668 = vector.load %arg7[%swap3A_665, %swap3A_666, %swap3A_667] : memref<1x512x8xf32, #tpu.memory_space<vmem>>, vector<1x512x1xf32>
    %swap3A_669 = vector.shape_cast %swap3A_668 : vector<1x512x1xf32> to vector<512x1xf32>
    %swap3A_670 = vector.shape_cast %add3A_652 : vector<512x1xf32> to vector<1x512x1xf32>
    tpu.vector_store %arg7[%swap3A_665, %swap3A_666, %swap3A_667], %swap3A_670 {strides = array<i32>} : memref<1x512x8xf32, #tpu.memory_space<vmem>>, vector<1x512x1xf32>,
    return
  }
  func.func @transform_0(%arg0: i32) -> (i32, i32, i32) {
    %c0_i32 = arith.constant 0 : i32
    %c0_i32_0 = arith.constant 0 : i32
    %c0_i32_1 = arith.constant 0 : i32
    return %arg0, %c0_i32, %c0_i32_0 : i32, i32, i32
  }
  func.func @transform_1(%arg0: i32) -> (i32, i32, i32) {
    %c0_i32 = arith.constant 0 : i32
    %c0_i32_0 = arith.constant 0 : i32
    %c0_i32_1 = arith.constant 0 : i32
    return %arg0, %c0_i32, %c0_i32_0 : i32, i32, i32
  }
  func.func @transform_2(%arg0: i32) -> (i32, i32, i32) {
    %c0_i32 = arith.constant 0 : i32
    %c0_i32_0 = arith.constant 0 : i32
    %c0_i32_1 = arith.constant 0 : i32
    return %arg0, %c0_i32, %c0_i32_0 : i32, i32, i32
  }
  func.func @transform_3(%arg0: i32) -> (i32, i32, i32) {
    %c0_i32 = arith.constant 0 : i32
    %c0_i32_0 = arith.constant 0 : i32
    %c0_i32_1 = arith.constant 0 : i32
    return %arg0, %c0_i32, %c0_i32_0 : i32, i32, i32
  }
  func.func @transform_4(%arg0: i32) -> (i32, i32, i32) {
    %c0_i32 = arith.constant 0 : i32
    %c0_i32_0 = arith.constant 0 : i32
    %c0_i32_1 = arith.constant 0 : i32
    return %arg0, %c0_i32, %c0_i32_0 : i32, i32, i32
  }
  func.func @transform_5(%arg0: i32) -> (i32, i32, i32) {
    %c0_i32 = arith.constant 0 : i32
    %c0_i32_0 = arith.constant 0 : i32
    %c0_i32_1 = arith.constant 0 : i32
    return %arg0, %c0_i32, %c0_i32_0 : i32, i32, i32
  }
  func.func @transform_6(%arg0: i32) -> (i32, i32, i32) {
    %c0_i32 = arith.constant 0 : i32
    %c0_i32_0 = arith.constant 0 : i32
    %c0_i32_1 = arith.constant 0 : i32
    return %arg0, %c0_i32, %c0_i32_0 : i32, i32, i32
  }
}

module attributes {stable_mosaic.version = 14 : i64} {
  func.func @_k1_body(%arg0: i32, %arg1: memref<1x4096x32xf32, #tpu.memory_space<vmem>>, %arg2: memref<1x2048x32xf32, #tpu.memory_space<vmem>>, %arg3: memref<1x1x4096xi32, #tpu.memory_space<vmem>>, %arg4: memref<1x512x8xf32, #tpu.memory_space<vmem>>) attributes {dimension_semantics = [#tpu.dimension_semantics<arbitrary>], iteration_bounds = array<i64: 4>, scalar_prefetch = 0 : i64, scratch_operands = 0 : i64, tpu.core_type = #tpu.core_type<tc>, window_params = [{transform_indices = @transform_0, window_bounds = array<i64: 1, 4096, 32>}, {transform_indices = @transform_1, window_bounds = array<i64: 1, 2048, 32>}, {transform_indices = @transform_2, window_bounds = array<i64: 1, 1, 4096>}, {transform_indices = @transform_3, window_bounds = array<i64: 1, 512, 8>}]} {
    %get3A = arith.constant 0 : index
    %get3A_0 = arith.constant 0 : index
    %get3A_1 = arith.constant 0 : index
    %get3A_2 = vector.load %arg2[%get3A, %get3A_0, %get3A_1] : memref<1x2048x32xf32, #tpu.memory_space<vmem>>, vector<1x2048x32xf32>
    %get3A_3 = vector.shape_cast %get3A_2 : vector<1x2048x32xf32> to vector<2048x32xf32>
    %mul3A = arith.mulf %get3A_3, %get3A_3 : vector<2048x32xf32>
    %reduce_sum3A = arith.constant dense<0.000000e+00> : vector<2048xf32>
    %reduce_sum3A_4 = vector.multi_reduction <add>, %mul3A, %reduce_sum3A [1] : vector<2048x32xf32> to vector<2048xf32>
    %broadcast_in_dim3A = vector.shape_cast %reduce_sum3A_4 : vector<2048xf32> to vector<1x2048xf32>
    %iota3A = tpu.iota {dimensions = array<i32: 1>} : vector<512x2048xi32>
    %convert_element_type3A = arith.sitofp %iota3A : vector<512x2048xi32> to vector<512x2048xf32>
    %get3A_5 = arith.constant 0 : index
    %get3A_6 = arith.constant 0 : index
    %get3A_7 = arith.constant 0 : index
    %get3A_8 = vector.load %arg1[%get3A_5, %get3A_6, %get3A_7] : memref<1x4096x32xf32, #tpu.memory_space<vmem>>, vector<1x512x32xf32>
    %get3A_9 = vector.shape_cast %get3A_8 : vector<1x512x32xf32> to vector<512x32xf32>
    %mul3A_10 = arith.constant -2.000000e+00 : f32
    %mul3A_11 = vector.broadcast %mul3A_10 : f32 to vector<512x32xf32>
    %mul3A_12 = arith.mulf %mul3A_11, %get3A_9 : vector<512x32xf32>
    %dot_general3A = arith.constant dense<0.000000e+00> : vector<512x2048xf32>
    %dot_general3A_13 = tpu.matmul %mul3A_12, %get3A_3, %dot_general3A {dimension_numbers = #tpu.dot_dimension_numbers<[1], [1], [0], [0], [0, 0, 1, 0], [], []>, transpose_lhs_hint = false} : vector<512x32xf32>, vector<2048x32xf32>, vector<512x2048xf32> -> vector<512x2048xf32>
    %add3A = vector.broadcast %broadcast_in_dim3A : vector<1x2048xf32> to vector<512x2048xf32>
    %add3A_14 = arith.addf %dot_general3A_13, %add3A : vector<512x2048xf32>
    %reduce_min3A = arith.constant dense<0x7F800000> : vector<512xf32>
    %reduce_min3A_15 = vector.multi_reduction <minimumf>, %add3A_14, %reduce_min3A [1] : vector<512x2048xf32> to vector<512xf32>
    %broadcast_in_dim3A_16 = vector.shape_cast %reduce_min3A_15 : vector<512xf32> to vector<512x1xf32>
    %le3A = vector.broadcast %broadcast_in_dim3A_16 : vector<512x1xf32> to vector<512x2048xf32>
    %le3A_17 = arith.cmpf ole, %add3A_14, %le3A : vector<512x2048xf32>
    %jit3A = arith.constant 2.048000e+03 : f32
    %broadcast_in_dim3A_18 = vector.broadcast %jit3A : f32 to vector<512x2048xf32>
    %select_n3A = arith.select %le3A_17, %convert_element_type3A, %broadcast_in_dim3A_18 : vector<512x2048xi1>, vector<512x2048xf32>
    %reduce_min3A_19 = arith.constant dense<0x7F800000> : vector<512xf32>
    %reduce_min3A_20 = vector.multi_reduction <minimumf>, %select_n3A, %reduce_min3A_19 [1] : vector<512x2048xf32> to vector<512xf32>
    %broadcast_in_dim3A_21 = vector.shape_cast %reduce_min3A_20 : vector<512xf32> to vector<512x1xf32>
    %mul3A_22 = arith.mulf %get3A_9, %get3A_9 : vector<512x32xf32>
    %reduce_sum3A_23 = arith.constant dense<0.000000e+00> : vector<512xf32>
    %reduce_sum3A_24 = vector.multi_reduction <add>, %mul3A_22, %reduce_sum3A_23 [1] : vector<512x32xf32> to vector<512xf32>
    %broadcast_in_dim3A_25 = vector.shape_cast %reduce_sum3A_24 : vector<512xf32> to vector<512x1xf32>
    %add3A_26 = arith.addf %broadcast_in_dim3A_16, %broadcast_in_dim3A_25 : vector<512x1xf32>
    %convert_element_type3A_27 = arith.fptosi %broadcast_in_dim3A_21 : vector<512x1xf32> to vector<512x1xi32>
    %mul3A_28 = arith.constant 2048 : i32
    %mul3A_29 = arith.muli %arg0, %mul3A_28 : i32
    %add3A_30 = vector.broadcast %mul3A_29 : i32 to vector<512x1xi32>
    %add3A_31 = arith.addi %convert_element_type3A_27, %add3A_30 : vector<512x1xi32>
    %reshape3A = vector.shape_cast %add3A_31 : vector<512x1xi32> to vector<512xi32>
    %swap3A = arith.constant 0 : index
    %swap3A_32 = arith.constant 0 : index
    %swap3A_33 = arith.constant 0 : index
    %swap3A_34 = vector.load %arg3[%swap3A, %swap3A_32, %swap3A_33] : memref<1x1x4096xi32, #tpu.memory_space<vmem>>, vector<1x1x512xi32>
    %swap3A_35 = vector.shape_cast %swap3A_34 : vector<1x1x512xi32> to vector<512xi32>
    %swap3A_36 = vector.shape_cast %reshape3A : vector<512xi32> to vector<1x1x512xi32>
    tpu.vector_store %arg3[%swap3A, %swap3A_32, %swap3A_33], %swap3A_36 {strides = array<i32>} : memref<1x1x4096xi32, #tpu.memory_space<vmem>>, vector<1x1x512xi32>,
    %swap3A_37 = arith.constant 0 : index
    %swap3A_38 = arith.constant 0 : index
    %swap3A_39 = arith.constant 0 : index
    %swap3A_40 = vector.load %arg4[%swap3A_37, %swap3A_38, %swap3A_39] : memref<1x512x8xf32, #tpu.memory_space<vmem>>, vector<1x512x1xf32>
    %swap3A_41 = vector.shape_cast %swap3A_40 : vector<1x512x1xf32> to vector<512x1xf32>
    %swap3A_42 = vector.shape_cast %add3A_26 : vector<512x1xf32> to vector<1x512x1xf32>
    tpu.vector_store %arg4[%swap3A_37, %swap3A_38, %swap3A_39], %swap3A_42 {strides = array<i32>} : memref<1x512x8xf32, #tpu.memory_space<vmem>>, vector<1x512x1xf32>,
    %get3A_43 = arith.constant 0 : index
    %get3A_44 = arith.constant 512 : index
    %get3A_45 = arith.constant 0 : index
    %get3A_46 = vector.load %arg1[%get3A_43, %get3A_44, %get3A_45] : memref<1x4096x32xf32, #tpu.memory_space<vmem>>, vector<1x512x32xf32>
    %get3A_47 = vector.shape_cast %get3A_46 : vector<1x512x32xf32> to vector<512x32xf32>
    %mul3A_48 = arith.constant -2.000000e+00 : f32
    %mul3A_49 = vector.broadcast %mul3A_48 : f32 to vector<512x32xf32>
    %mul3A_50 = arith.mulf %mul3A_49, %get3A_47 : vector<512x32xf32>
    %dot_general3A_51 = arith.constant dense<0.000000e+00> : vector<512x2048xf32>
    %dot_general3A_52 = tpu.matmul %mul3A_50, %get3A_3, %dot_general3A_51 {dimension_numbers = #tpu.dot_dimension_numbers<[1], [1], [0], [0], [0, 0, 1, 0], [], []>, transpose_lhs_hint = false} : vector<512x32xf32>, vector<2048x32xf32>, vector<512x2048xf32> -> vector<512x2048xf32>
    %add3A_53 = vector.broadcast %broadcast_in_dim3A : vector<1x2048xf32> to vector<512x2048xf32>
    %add3A_54 = arith.addf %dot_general3A_52, %add3A_53 : vector<512x2048xf32>
    %reduce_min3A_55 = arith.constant dense<0x7F800000> : vector<512xf32>
    %reduce_min3A_56 = vector.multi_reduction <minimumf>, %add3A_54, %reduce_min3A_55 [1] : vector<512x2048xf32> to vector<512xf32>
    %broadcast_in_dim3A_57 = vector.shape_cast %reduce_min3A_56 : vector<512xf32> to vector<512x1xf32>
    %le3A_58 = vector.broadcast %broadcast_in_dim3A_57 : vector<512x1xf32> to vector<512x2048xf32>
    %le3A_59 = arith.cmpf ole, %add3A_54, %le3A_58 : vector<512x2048xf32>
    %jit3A_60 = arith.constant 2.048000e+03 : f32
    %broadcast_in_dim3A_61 = vector.broadcast %jit3A_60 : f32 to vector<512x2048xf32>
    %select_n3A_62 = arith.select %le3A_59, %convert_element_type3A, %broadcast_in_dim3A_61 : vector<512x2048xi1>, vector<512x2048xf32>
    %reduce_min3A_63 = arith.constant dense<0x7F800000> : vector<512xf32>
    %reduce_min3A_64 = vector.multi_reduction <minimumf>, %select_n3A_62, %reduce_min3A_63 [1] : vector<512x2048xf32> to vector<512xf32>
    %broadcast_in_dim3A_65 = vector.shape_cast %reduce_min3A_64 : vector<512xf32> to vector<512x1xf32>
    %mul3A_66 = arith.mulf %get3A_47, %get3A_47 : vector<512x32xf32>
    %reduce_sum3A_67 = arith.constant dense<0.000000e+00> : vector<512xf32>
    %reduce_sum3A_68 = vector.multi_reduction <add>, %mul3A_66, %reduce_sum3A_67 [1] : vector<512x32xf32> to vector<512xf32>
    %broadcast_in_dim3A_69 = vector.shape_cast %reduce_sum3A_68 : vector<512xf32> to vector<512x1xf32>
    %add3A_70 = arith.addf %broadcast_in_dim3A_57, %broadcast_in_dim3A_69 : vector<512x1xf32>
    %convert_element_type3A_71 = arith.fptosi %broadcast_in_dim3A_65 : vector<512x1xf32> to vector<512x1xi32>
    %mul3A_72 = arith.constant 2048 : i32
    %mul3A_73 = arith.muli %arg0, %mul3A_72 : i32
    %add3A_74 = vector.broadcast %mul3A_73 : i32 to vector<512x1xi32>
    %add3A_75 = arith.addi %convert_element_type3A_71, %add3A_74 : vector<512x1xi32>
    %reshape3A_76 = vector.shape_cast %add3A_75 : vector<512x1xi32> to vector<512xi32>
    %swap3A_77 = arith.constant 0 : index
    %swap3A_78 = arith.constant 0 : index
    %swap3A_79 = arith.constant 512 : index
    %swap3A_80 = vector.load %arg3[%swap3A_77, %swap3A_78, %swap3A_79] : memref<1x1x4096xi32, #tpu.memory_space<vmem>>, vector<1x1x512xi32>
    %swap3A_81 = vector.shape_cast %swap3A_80 : vector<1x1x512xi32> to vector<512xi32>
    %swap3A_82 = vector.shape_cast %reshape3A_76 : vector<512xi32> to vector<1x1x512xi32>
    tpu.vector_store %arg3[%swap3A_77, %swap3A_78, %swap3A_79], %swap3A_82 {strides = array<i32>} : memref<1x1x4096xi32, #tpu.memory_space<vmem>>, vector<1x1x512xi32>,
    %swap3A_83 = arith.constant 0 : index
    %swap3A_84 = arith.constant 0 : index
    %swap3A_85 = arith.constant 1 : index
    %swap3A_86 = vector.load %arg4[%swap3A_83, %swap3A_84, %swap3A_85] : memref<1x512x8xf32, #tpu.memory_space<vmem>>, vector<1x512x1xf32>
    %swap3A_87 = vector.shape_cast %swap3A_86 : vector<1x512x1xf32> to vector<512x1xf32>
    %swap3A_88 = vector.shape_cast %add3A_70 : vector<512x1xf32> to vector<1x512x1xf32>
    tpu.vector_store %arg4[%swap3A_83, %swap3A_84, %swap3A_85], %swap3A_88 {strides = array<i32>} : memref<1x512x8xf32, #tpu.memory_space<vmem>>, vector<1x512x1xf32>,
    %get3A_89 = arith.constant 0 : index
    %get3A_90 = arith.constant 1024 : index
    %get3A_91 = arith.constant 0 : index
    %get3A_92 = vector.load %arg1[%get3A_89, %get3A_90, %get3A_91] : memref<1x4096x32xf32, #tpu.memory_space<vmem>>, vector<1x512x32xf32>
    %get3A_93 = vector.shape_cast %get3A_92 : vector<1x512x32xf32> to vector<512x32xf32>
    %mul3A_94 = arith.constant -2.000000e+00 : f32
    %mul3A_95 = vector.broadcast %mul3A_94 : f32 to vector<512x32xf32>
    %mul3A_96 = arith.mulf %mul3A_95, %get3A_93 : vector<512x32xf32>
    %dot_general3A_97 = arith.constant dense<0.000000e+00> : vector<512x2048xf32>
    %dot_general3A_98 = tpu.matmul %mul3A_96, %get3A_3, %dot_general3A_97 {dimension_numbers = #tpu.dot_dimension_numbers<[1], [1], [0], [0], [0, 0, 1, 0], [], []>, transpose_lhs_hint = false} : vector<512x32xf32>, vector<2048x32xf32>, vector<512x2048xf32> -> vector<512x2048xf32>
    %add3A_99 = vector.broadcast %broadcast_in_dim3A : vector<1x2048xf32> to vector<512x2048xf32>
    %add3A_100 = arith.addf %dot_general3A_98, %add3A_99 : vector<512x2048xf32>
    %reduce_min3A_101 = arith.constant dense<0x7F800000> : vector<512xf32>
    %reduce_min3A_102 = vector.multi_reduction <minimumf>, %add3A_100, %reduce_min3A_101 [1] : vector<512x2048xf32> to vector<512xf32>
    %broadcast_in_dim3A_103 = vector.shape_cast %reduce_min3A_102 : vector<512xf32> to vector<512x1xf32>
    %le3A_104 = vector.broadcast %broadcast_in_dim3A_103 : vector<512x1xf32> to vector<512x2048xf32>
    %le3A_105 = arith.cmpf ole, %add3A_100, %le3A_104 : vector<512x2048xf32>
    %jit3A_106 = arith.constant 2.048000e+03 : f32
    %broadcast_in_dim3A_107 = vector.broadcast %jit3A_106 : f32 to vector<512x2048xf32>
    %select_n3A_108 = arith.select %le3A_105, %convert_element_type3A, %broadcast_in_dim3A_107 : vector<512x2048xi1>, vector<512x2048xf32>
    %reduce_min3A_109 = arith.constant dense<0x7F800000> : vector<512xf32>
    %reduce_min3A_110 = vector.multi_reduction <minimumf>, %select_n3A_108, %reduce_min3A_109 [1] : vector<512x2048xf32> to vector<512xf32>
    %broadcast_in_dim3A_111 = vector.shape_cast %reduce_min3A_110 : vector<512xf32> to vector<512x1xf32>
    %mul3A_112 = arith.mulf %get3A_93, %get3A_93 : vector<512x32xf32>
    %reduce_sum3A_113 = arith.constant dense<0.000000e+00> : vector<512xf32>
    %reduce_sum3A_114 = vector.multi_reduction <add>, %mul3A_112, %reduce_sum3A_113 [1] : vector<512x32xf32> to vector<512xf32>
    %broadcast_in_dim3A_115 = vector.shape_cast %reduce_sum3A_114 : vector<512xf32> to vector<512x1xf32>
    %add3A_116 = arith.addf %broadcast_in_dim3A_103, %broadcast_in_dim3A_115 : vector<512x1xf32>
    %convert_element_type3A_117 = arith.fptosi %broadcast_in_dim3A_111 : vector<512x1xf32> to vector<512x1xi32>
    %mul3A_118 = arith.constant 2048 : i32
    %mul3A_119 = arith.muli %arg0, %mul3A_118 : i32
    %add3A_120 = vector.broadcast %mul3A_119 : i32 to vector<512x1xi32>
    %add3A_121 = arith.addi %convert_element_type3A_117, %add3A_120 : vector<512x1xi32>
    %reshape3A_122 = vector.shape_cast %add3A_121 : vector<512x1xi32> to vector<512xi32>
    %swap3A_123 = arith.constant 0 : index
    %swap3A_124 = arith.constant 0 : index
    %swap3A_125 = arith.constant 1024 : index
    %swap3A_126 = vector.load %arg3[%swap3A_123, %swap3A_124, %swap3A_125] : memref<1x1x4096xi32, #tpu.memory_space<vmem>>, vector<1x1x512xi32>
    %swap3A_127 = vector.shape_cast %swap3A_126 : vector<1x1x512xi32> to vector<512xi32>
    %swap3A_128 = vector.shape_cast %reshape3A_122 : vector<512xi32> to vector<1x1x512xi32>
    tpu.vector_store %arg3[%swap3A_123, %swap3A_124, %swap3A_125], %swap3A_128 {strides = array<i32>} : memref<1x1x4096xi32, #tpu.memory_space<vmem>>, vector<1x1x512xi32>,
    %swap3A_129 = arith.constant 0 : index
    %swap3A_130 = arith.constant 0 : index
    %swap3A_131 = arith.constant 2 : index
    %swap3A_132 = vector.load %arg4[%swap3A_129, %swap3A_130, %swap3A_131] : memref<1x512x8xf32, #tpu.memory_space<vmem>>, vector<1x512x1xf32>
    %swap3A_133 = vector.shape_cast %swap3A_132 : vector<1x512x1xf32> to vector<512x1xf32>
    %swap3A_134 = vector.shape_cast %add3A_116 : vector<512x1xf32> to vector<1x512x1xf32>
    tpu.vector_store %arg4[%swap3A_129, %swap3A_130, %swap3A_131], %swap3A_134 {strides = array<i32>} : memref<1x512x8xf32, #tpu.memory_space<vmem>>, vector<1x512x1xf32>,
    %get3A_135 = arith.constant 0 : index
    %get3A_136 = arith.constant 1536 : index
    %get3A_137 = arith.constant 0 : index
    %get3A_138 = vector.load %arg1[%get3A_135, %get3A_136, %get3A_137] : memref<1x4096x32xf32, #tpu.memory_space<vmem>>, vector<1x512x32xf32>
    %get3A_139 = vector.shape_cast %get3A_138 : vector<1x512x32xf32> to vector<512x32xf32>
    %mul3A_140 = arith.constant -2.000000e+00 : f32
    %mul3A_141 = vector.broadcast %mul3A_140 : f32 to vector<512x32xf32>
    %mul3A_142 = arith.mulf %mul3A_141, %get3A_139 : vector<512x32xf32>
    %dot_general3A_143 = arith.constant dense<0.000000e+00> : vector<512x2048xf32>
    %dot_general3A_144 = tpu.matmul %mul3A_142, %get3A_3, %dot_general3A_143 {dimension_numbers = #tpu.dot_dimension_numbers<[1], [1], [0], [0], [0, 0, 1, 0], [], []>, transpose_lhs_hint = false} : vector<512x32xf32>, vector<2048x32xf32>, vector<512x2048xf32> -> vector<512x2048xf32>
    %add3A_145 = vector.broadcast %broadcast_in_dim3A : vector<1x2048xf32> to vector<512x2048xf32>
    %add3A_146 = arith.addf %dot_general3A_144, %add3A_145 : vector<512x2048xf32>
    %reduce_min3A_147 = arith.constant dense<0x7F800000> : vector<512xf32>
    %reduce_min3A_148 = vector.multi_reduction <minimumf>, %add3A_146, %reduce_min3A_147 [1] : vector<512x2048xf32> to vector<512xf32>
    %broadcast_in_dim3A_149 = vector.shape_cast %reduce_min3A_148 : vector<512xf32> to vector<512x1xf32>
    %le3A_150 = vector.broadcast %broadcast_in_dim3A_149 : vector<512x1xf32> to vector<512x2048xf32>
    %le3A_151 = arith.cmpf ole, %add3A_146, %le3A_150 : vector<512x2048xf32>
    %jit3A_152 = arith.constant 2.048000e+03 : f32
    %broadcast_in_dim3A_153 = vector.broadcast %jit3A_152 : f32 to vector<512x2048xf32>
    %select_n3A_154 = arith.select %le3A_151, %convert_element_type3A, %broadcast_in_dim3A_153 : vector<512x2048xi1>, vector<512x2048xf32>
    %reduce_min3A_155 = arith.constant dense<0x7F800000> : vector<512xf32>
    %reduce_min3A_156 = vector.multi_reduction <minimumf>, %select_n3A_154, %reduce_min3A_155 [1] : vector<512x2048xf32> to vector<512xf32>
    %broadcast_in_dim3A_157 = vector.shape_cast %reduce_min3A_156 : vector<512xf32> to vector<512x1xf32>
    %mul3A_158 = arith.mulf %get3A_139, %get3A_139 : vector<512x32xf32>
    %reduce_sum3A_159 = arith.constant dense<0.000000e+00> : vector<512xf32>
    %reduce_sum3A_160 = vector.multi_reduction <add>, %mul3A_158, %reduce_sum3A_159 [1] : vector<512x32xf32> to vector<512xf32>
    %broadcast_in_dim3A_161 = vector.shape_cast %reduce_sum3A_160 : vector<512xf32> to vector<512x1xf32>
    %add3A_162 = arith.addf %broadcast_in_dim3A_149, %broadcast_in_dim3A_161 : vector<512x1xf32>
    %convert_element_type3A_163 = arith.fptosi %broadcast_in_dim3A_157 : vector<512x1xf32> to vector<512x1xi32>
    %mul3A_164 = arith.constant 2048 : i32
    %mul3A_165 = arith.muli %arg0, %mul3A_164 : i32
    %add3A_166 = vector.broadcast %mul3A_165 : i32 to vector<512x1xi32>
    %add3A_167 = arith.addi %convert_element_type3A_163, %add3A_166 : vector<512x1xi32>
    %reshape3A_168 = vector.shape_cast %add3A_167 : vector<512x1xi32> to vector<512xi32>
    %swap3A_169 = arith.constant 0 : index
    %swap3A_170 = arith.constant 0 : index
    %swap3A_171 = arith.constant 1536 : index
    %swap3A_172 = vector.load %arg3[%swap3A_169, %swap3A_170, %swap3A_171] : memref<1x1x4096xi32, #tpu.memory_space<vmem>>, vector<1x1x512xi32>
    %swap3A_173 = vector.shape_cast %swap3A_172 : vector<1x1x512xi32> to vector<512xi32>
    %swap3A_174 = vector.shape_cast %reshape3A_168 : vector<512xi32> to vector<1x1x512xi32>
    tpu.vector_store %arg3[%swap3A_169, %swap3A_170, %swap3A_171], %swap3A_174 {strides = array<i32>} : memref<1x1x4096xi32, #tpu.memory_space<vmem>>, vector<1x1x512xi32>,
    %swap3A_175 = arith.constant 0 : index
    %swap3A_176 = arith.constant 0 : index
    %swap3A_177 = arith.constant 3 : index
    %swap3A_178 = vector.load %arg4[%swap3A_175, %swap3A_176, %swap3A_177] : memref<1x512x8xf32, #tpu.memory_space<vmem>>, vector<1x512x1xf32>
    %swap3A_179 = vector.shape_cast %swap3A_178 : vector<1x512x1xf32> to vector<512x1xf32>
    %swap3A_180 = vector.shape_cast %add3A_162 : vector<512x1xf32> to vector<1x512x1xf32>
    tpu.vector_store %arg4[%swap3A_175, %swap3A_176, %swap3A_177], %swap3A_180 {strides = array<i32>} : memref<1x512x8xf32, #tpu.memory_space<vmem>>, vector<1x512x1xf32>,
    %get3A_181 = arith.constant 0 : index
    %get3A_182 = arith.constant 2048 : index
    %get3A_183 = arith.constant 0 : index
    %get3A_184 = vector.load %arg1[%get3A_181, %get3A_182, %get3A_183] : memref<1x4096x32xf32, #tpu.memory_space<vmem>>, vector<1x512x32xf32>
    %get3A_185 = vector.shape_cast %get3A_184 : vector<1x512x32xf32> to vector<512x32xf32>
    %mul3A_186 = arith.constant -2.000000e+00 : f32
    %mul3A_187 = vector.broadcast %mul3A_186 : f32 to vector<512x32xf32>
    %mul3A_188 = arith.mulf %mul3A_187, %get3A_185 : vector<512x32xf32>
    %dot_general3A_189 = arith.constant dense<0.000000e+00> : vector<512x2048xf32>
    %dot_general3A_190 = tpu.matmul %mul3A_188, %get3A_3, %dot_general3A_189 {dimension_numbers = #tpu.dot_dimension_numbers<[1], [1], [0], [0], [0, 0, 1, 0], [], []>, transpose_lhs_hint = false} : vector<512x32xf32>, vector<2048x32xf32>, vector<512x2048xf32> -> vector<512x2048xf32>
    %add3A_191 = vector.broadcast %broadcast_in_dim3A : vector<1x2048xf32> to vector<512x2048xf32>
    %add3A_192 = arith.addf %dot_general3A_190, %add3A_191 : vector<512x2048xf32>
    %reduce_min3A_193 = arith.constant dense<0x7F800000> : vector<512xf32>
    %reduce_min3A_194 = vector.multi_reduction <minimumf>, %add3A_192, %reduce_min3A_193 [1] : vector<512x2048xf32> to vector<512xf32>
    %broadcast_in_dim3A_195 = vector.shape_cast %reduce_min3A_194 : vector<512xf32> to vector<512x1xf32>
    %le3A_196 = vector.broadcast %broadcast_in_dim3A_195 : vector<512x1xf32> to vector<512x2048xf32>
    %le3A_197 = arith.cmpf ole, %add3A_192, %le3A_196 : vector<512x2048xf32>
    %jit3A_198 = arith.constant 2.048000e+03 : f32
    %broadcast_in_dim3A_199 = vector.broadcast %jit3A_198 : f32 to vector<512x2048xf32>
    %select_n3A_200 = arith.select %le3A_197, %convert_element_type3A, %broadcast_in_dim3A_199 : vector<512x2048xi1>, vector<512x2048xf32>
    %reduce_min3A_201 = arith.constant dense<0x7F800000> : vector<512xf32>
    %reduce_min3A_202 = vector.multi_reduction <minimumf>, %select_n3A_200, %reduce_min3A_201 [1] : vector<512x2048xf32> to vector<512xf32>
    %broadcast_in_dim3A_203 = vector.shape_cast %reduce_min3A_202 : vector<512xf32> to vector<512x1xf32>
    %mul3A_204 = arith.mulf %get3A_185, %get3A_185 : vector<512x32xf32>
    %reduce_sum3A_205 = arith.constant dense<0.000000e+00> : vector<512xf32>
    %reduce_sum3A_206 = vector.multi_reduction <add>, %mul3A_204, %reduce_sum3A_205 [1] : vector<512x32xf32> to vector<512xf32>
    %broadcast_in_dim3A_207 = vector.shape_cast %reduce_sum3A_206 : vector<512xf32> to vector<512x1xf32>
    %add3A_208 = arith.addf %broadcast_in_dim3A_195, %broadcast_in_dim3A_207 : vector<512x1xf32>
    %convert_element_type3A_209 = arith.fptosi %broadcast_in_dim3A_203 : vector<512x1xf32> to vector<512x1xi32>
    %mul3A_210 = arith.constant 2048 : i32
    %mul3A_211 = arith.muli %arg0, %mul3A_210 : i32
    %add3A_212 = vector.broadcast %mul3A_211 : i32 to vector<512x1xi32>
    %add3A_213 = arith.addi %convert_element_type3A_209, %add3A_212 : vector<512x1xi32>
    %reshape3A_214 = vector.shape_cast %add3A_213 : vector<512x1xi32> to vector<512xi32>
    %swap3A_215 = arith.constant 0 : index
    %swap3A_216 = arith.constant 0 : index
    %swap3A_217 = arith.constant 2048 : index
    %swap3A_218 = vector.load %arg3[%swap3A_215, %swap3A_216, %swap3A_217] : memref<1x1x4096xi32, #tpu.memory_space<vmem>>, vector<1x1x512xi32>
    %swap3A_219 = vector.shape_cast %swap3A_218 : vector<1x1x512xi32> to vector<512xi32>
    %swap3A_220 = vector.shape_cast %reshape3A_214 : vector<512xi32> to vector<1x1x512xi32>
    tpu.vector_store %arg3[%swap3A_215, %swap3A_216, %swap3A_217], %swap3A_220 {strides = array<i32>} : memref<1x1x4096xi32, #tpu.memory_space<vmem>>, vector<1x1x512xi32>,
    %swap3A_221 = arith.constant 0 : index
    %swap3A_222 = arith.constant 0 : index
    %swap3A_223 = arith.constant 4 : index
    %swap3A_224 = vector.load %arg4[%swap3A_221, %swap3A_222, %swap3A_223] : memref<1x512x8xf32, #tpu.memory_space<vmem>>, vector<1x512x1xf32>
    %swap3A_225 = vector.shape_cast %swap3A_224 : vector<1x512x1xf32> to vector<512x1xf32>
    %swap3A_226 = vector.shape_cast %add3A_208 : vector<512x1xf32> to vector<1x512x1xf32>
    tpu.vector_store %arg4[%swap3A_221, %swap3A_222, %swap3A_223], %swap3A_226 {strides = array<i32>} : memref<1x512x8xf32, #tpu.memory_space<vmem>>, vector<1x512x1xf32>,
    %get3A_227 = arith.constant 0 : index
    %get3A_228 = arith.constant 2560 : index
    %get3A_229 = arith.constant 0 : index
    %get3A_230 = vector.load %arg1[%get3A_227, %get3A_228, %get3A_229] : memref<1x4096x32xf32, #tpu.memory_space<vmem>>, vector<1x512x32xf32>
    %get3A_231 = vector.shape_cast %get3A_230 : vector<1x512x32xf32> to vector<512x32xf32>
    %mul3A_232 = arith.constant -2.000000e+00 : f32
    %mul3A_233 = vector.broadcast %mul3A_232 : f32 to vector<512x32xf32>
    %mul3A_234 = arith.mulf %mul3A_233, %get3A_231 : vector<512x32xf32>
    %dot_general3A_235 = arith.constant dense<0.000000e+00> : vector<512x2048xf32>
    %dot_general3A_236 = tpu.matmul %mul3A_234, %get3A_3, %dot_general3A_235 {dimension_numbers = #tpu.dot_dimension_numbers<[1], [1], [0], [0], [0, 0, 1, 0], [], []>, transpose_lhs_hint = false} : vector<512x32xf32>, vector<2048x32xf32>, vector<512x2048xf32> -> vector<512x2048xf32>
    %add3A_237 = vector.broadcast %broadcast_in_dim3A : vector<1x2048xf32> to vector<512x2048xf32>
    %add3A_238 = arith.addf %dot_general3A_236, %add3A_237 : vector<512x2048xf32>
    %reduce_min3A_239 = arith.constant dense<0x7F800000> : vector<512xf32>
    %reduce_min3A_240 = vector.multi_reduction <minimumf>, %add3A_238, %reduce_min3A_239 [1] : vector<512x2048xf32> to vector<512xf32>
    %broadcast_in_dim3A_241 = vector.shape_cast %reduce_min3A_240 : vector<512xf32> to vector<512x1xf32>
    %le3A_242 = vector.broadcast %broadcast_in_dim3A_241 : vector<512x1xf32> to vector<512x2048xf32>
    %le3A_243 = arith.cmpf ole, %add3A_238, %le3A_242 : vector<512x2048xf32>
    %jit3A_244 = arith.constant 2.048000e+03 : f32
    %broadcast_in_dim3A_245 = vector.broadcast %jit3A_244 : f32 to vector<512x2048xf32>
    %select_n3A_246 = arith.select %le3A_243, %convert_element_type3A, %broadcast_in_dim3A_245 : vector<512x2048xi1>, vector<512x2048xf32>
    %reduce_min3A_247 = arith.constant dense<0x7F800000> : vector<512xf32>
    %reduce_min3A_248 = vector.multi_reduction <minimumf>, %select_n3A_246, %reduce_min3A_247 [1] : vector<512x2048xf32> to vector<512xf32>
    %broadcast_in_dim3A_249 = vector.shape_cast %reduce_min3A_248 : vector<512xf32> to vector<512x1xf32>
    %mul3A_250 = arith.mulf %get3A_231, %get3A_231 : vector<512x32xf32>
    %reduce_sum3A_251 = arith.constant dense<0.000000e+00> : vector<512xf32>
    %reduce_sum3A_252 = vector.multi_reduction <add>, %mul3A_250, %reduce_sum3A_251 [1] : vector<512x32xf32> to vector<512xf32>
    %broadcast_in_dim3A_253 = vector.shape_cast %reduce_sum3A_252 : vector<512xf32> to vector<512x1xf32>
    %add3A_254 = arith.addf %broadcast_in_dim3A_241, %broadcast_in_dim3A_253 : vector<512x1xf32>
    %convert_element_type3A_255 = arith.fptosi %broadcast_in_dim3A_249 : vector<512x1xf32> to vector<512x1xi32>
    %mul3A_256 = arith.constant 2048 : i32
    %mul3A_257 = arith.muli %arg0, %mul3A_256 : i32
    %add3A_258 = vector.broadcast %mul3A_257 : i32 to vector<512x1xi32>
    %add3A_259 = arith.addi %convert_element_type3A_255, %add3A_258 : vector<512x1xi32>
    %reshape3A_260 = vector.shape_cast %add3A_259 : vector<512x1xi32> to vector<512xi32>
    %swap3A_261 = arith.constant 0 : index
    %swap3A_262 = arith.constant 0 : index
    %swap3A_263 = arith.constant 2560 : index
    %swap3A_264 = vector.load %arg3[%swap3A_261, %swap3A_262, %swap3A_263] : memref<1x1x4096xi32, #tpu.memory_space<vmem>>, vector<1x1x512xi32>
    %swap3A_265 = vector.shape_cast %swap3A_264 : vector<1x1x512xi32> to vector<512xi32>
    %swap3A_266 = vector.shape_cast %reshape3A_260 : vector<512xi32> to vector<1x1x512xi32>
    tpu.vector_store %arg3[%swap3A_261, %swap3A_262, %swap3A_263], %swap3A_266 {strides = array<i32>} : memref<1x1x4096xi32, #tpu.memory_space<vmem>>, vector<1x1x512xi32>,
    %swap3A_267 = arith.constant 0 : index
    %swap3A_268 = arith.constant 0 : index
    %swap3A_269 = arith.constant 5 : index
    %swap3A_270 = vector.load %arg4[%swap3A_267, %swap3A_268, %swap3A_269] : memref<1x512x8xf32, #tpu.memory_space<vmem>>, vector<1x512x1xf32>
    %swap3A_271 = vector.shape_cast %swap3A_270 : vector<1x512x1xf32> to vector<512x1xf32>
    %swap3A_272 = vector.shape_cast %add3A_254 : vector<512x1xf32> to vector<1x512x1xf32>
    tpu.vector_store %arg4[%swap3A_267, %swap3A_268, %swap3A_269], %swap3A_272 {strides = array<i32>} : memref<1x512x8xf32, #tpu.memory_space<vmem>>, vector<1x512x1xf32>,
    %get3A_273 = arith.constant 0 : index
    %get3A_274 = arith.constant 3072 : index
    %get3A_275 = arith.constant 0 : index
    %get3A_276 = vector.load %arg1[%get3A_273, %get3A_274, %get3A_275] : memref<1x4096x32xf32, #tpu.memory_space<vmem>>, vector<1x512x32xf32>
    %get3A_277 = vector.shape_cast %get3A_276 : vector<1x512x32xf32> to vector<512x32xf32>
    %mul3A_278 = arith.constant -2.000000e+00 : f32
    %mul3A_279 = vector.broadcast %mul3A_278 : f32 to vector<512x32xf32>
    %mul3A_280 = arith.mulf %mul3A_279, %get3A_277 : vector<512x32xf32>
    %dot_general3A_281 = arith.constant dense<0.000000e+00> : vector<512x2048xf32>
    %dot_general3A_282 = tpu.matmul %mul3A_280, %get3A_3, %dot_general3A_281 {dimension_numbers = #tpu.dot_dimension_numbers<[1], [1], [0], [0], [0, 0, 1, 0], [], []>, transpose_lhs_hint = false} : vector<512x32xf32>, vector<2048x32xf32>, vector<512x2048xf32> -> vector<512x2048xf32>
    %add3A_283 = vector.broadcast %broadcast_in_dim3A : vector<1x2048xf32> to vector<512x2048xf32>
    %add3A_284 = arith.addf %dot_general3A_282, %add3A_283 : vector<512x2048xf32>
    %reduce_min3A_285 = arith.constant dense<0x7F800000> : vector<512xf32>
    %reduce_min3A_286 = vector.multi_reduction <minimumf>, %add3A_284, %reduce_min3A_285 [1] : vector<512x2048xf32> to vector<512xf32>
    %broadcast_in_dim3A_287 = vector.shape_cast %reduce_min3A_286 : vector<512xf32> to vector<512x1xf32>
    %le3A_288 = vector.broadcast %broadcast_in_dim3A_287 : vector<512x1xf32> to vector<512x2048xf32>
    %le3A_289 = arith.cmpf ole, %add3A_284, %le3A_288 : vector<512x2048xf32>
    %jit3A_290 = arith.constant 2.048000e+03 : f32
    %broadcast_in_dim3A_291 = vector.broadcast %jit3A_290 : f32 to vector<512x2048xf32>
    %select_n3A_292 = arith.select %le3A_289, %convert_element_type3A, %broadcast_in_dim3A_291 : vector<512x2048xi1>, vector<512x2048xf32>
    %reduce_min3A_293 = arith.constant dense<0x7F800000> : vector<512xf32>
    %reduce_min3A_294 = vector.multi_reduction <minimumf>, %select_n3A_292, %reduce_min3A_293 [1] : vector<512x2048xf32> to vector<512xf32>
    %broadcast_in_dim3A_295 = vector.shape_cast %reduce_min3A_294 : vector<512xf32> to vector<512x1xf32>
    %mul3A_296 = arith.mulf %get3A_277, %get3A_277 : vector<512x32xf32>
    %reduce_sum3A_297 = arith.constant dense<0.000000e+00> : vector<512xf32>
    %reduce_sum3A_298 = vector.multi_reduction <add>, %mul3A_296, %reduce_sum3A_297 [1] : vector<512x32xf32> to vector<512xf32>
    %broadcast_in_dim3A_299 = vector.shape_cast %reduce_sum3A_298 : vector<512xf32> to vector<512x1xf32>
    %add3A_300 = arith.addf %broadcast_in_dim3A_287, %broadcast_in_dim3A_299 : vector<512x1xf32>
    %convert_element_type3A_301 = arith.fptosi %broadcast_in_dim3A_295 : vector<512x1xf32> to vector<512x1xi32>
    %mul3A_302 = arith.constant 2048 : i32
    %mul3A_303 = arith.muli %arg0, %mul3A_302 : i32
    %add3A_304 = vector.broadcast %mul3A_303 : i32 to vector<512x1xi32>
    %add3A_305 = arith.addi %convert_element_type3A_301, %add3A_304 : vector<512x1xi32>
    %reshape3A_306 = vector.shape_cast %add3A_305 : vector<512x1xi32> to vector<512xi32>
    %swap3A_307 = arith.constant 0 : index
    %swap3A_308 = arith.constant 0 : index
    %swap3A_309 = arith.constant 3072 : index
    %swap3A_310 = vector.load %arg3[%swap3A_307, %swap3A_308, %swap3A_309] : memref<1x1x4096xi32, #tpu.memory_space<vmem>>, vector<1x1x512xi32>
    %swap3A_311 = vector.shape_cast %swap3A_310 : vector<1x1x512xi32> to vector<512xi32>
    %swap3A_312 = vector.shape_cast %reshape3A_306 : vector<512xi32> to vector<1x1x512xi32>
    tpu.vector_store %arg3[%swap3A_307, %swap3A_308, %swap3A_309], %swap3A_312 {strides = array<i32>} : memref<1x1x4096xi32, #tpu.memory_space<vmem>>, vector<1x1x512xi32>,
    %swap3A_313 = arith.constant 0 : index
    %swap3A_314 = arith.constant 0 : index
    %swap3A_315 = arith.constant 6 : index
    %swap3A_316 = vector.load %arg4[%swap3A_313, %swap3A_314, %swap3A_315] : memref<1x512x8xf32, #tpu.memory_space<vmem>>, vector<1x512x1xf32>
    %swap3A_317 = vector.shape_cast %swap3A_316 : vector<1x512x1xf32> to vector<512x1xf32>
    %swap3A_318 = vector.shape_cast %add3A_300 : vector<512x1xf32> to vector<1x512x1xf32>
    tpu.vector_store %arg4[%swap3A_313, %swap3A_314, %swap3A_315], %swap3A_318 {strides = array<i32>} : memref<1x512x8xf32, #tpu.memory_space<vmem>>, vector<1x512x1xf32>,
    %get3A_319 = arith.constant 0 : index
    %get3A_320 = arith.constant 3584 : index
    %get3A_321 = arith.constant 0 : index
    %get3A_322 = vector.load %arg1[%get3A_319, %get3A_320, %get3A_321] : memref<1x4096x32xf32, #tpu.memory_space<vmem>>, vector<1x512x32xf32>
    %get3A_323 = vector.shape_cast %get3A_322 : vector<1x512x32xf32> to vector<512x32xf32>
    %mul3A_324 = arith.constant -2.000000e+00 : f32
    %mul3A_325 = vector.broadcast %mul3A_324 : f32 to vector<512x32xf32>
    %mul3A_326 = arith.mulf %mul3A_325, %get3A_323 : vector<512x32xf32>
    %dot_general3A_327 = arith.constant dense<0.000000e+00> : vector<512x2048xf32>
    %dot_general3A_328 = tpu.matmul %mul3A_326, %get3A_3, %dot_general3A_327 {dimension_numbers = #tpu.dot_dimension_numbers<[1], [1], [0], [0], [0, 0, 1, 0], [], []>, transpose_lhs_hint = false} : vector<512x32xf32>, vector<2048x32xf32>, vector<512x2048xf32> -> vector<512x2048xf32>
    %add3A_329 = vector.broadcast %broadcast_in_dim3A : vector<1x2048xf32> to vector<512x2048xf32>
    %add3A_330 = arith.addf %dot_general3A_328, %add3A_329 : vector<512x2048xf32>
    %reduce_min3A_331 = arith.constant dense<0x7F800000> : vector<512xf32>
    %reduce_min3A_332 = vector.multi_reduction <minimumf>, %add3A_330, %reduce_min3A_331 [1] : vector<512x2048xf32> to vector<512xf32>
    %broadcast_in_dim3A_333 = vector.shape_cast %reduce_min3A_332 : vector<512xf32> to vector<512x1xf32>
    %le3A_334 = vector.broadcast %broadcast_in_dim3A_333 : vector<512x1xf32> to vector<512x2048xf32>
    %le3A_335 = arith.cmpf ole, %add3A_330, %le3A_334 : vector<512x2048xf32>
    %jit3A_336 = arith.constant 2.048000e+03 : f32
    %broadcast_in_dim3A_337 = vector.broadcast %jit3A_336 : f32 to vector<512x2048xf32>
    %select_n3A_338 = arith.select %le3A_335, %convert_element_type3A, %broadcast_in_dim3A_337 : vector<512x2048xi1>, vector<512x2048xf32>
    %reduce_min3A_339 = arith.constant dense<0x7F800000> : vector<512xf32>
    %reduce_min3A_340 = vector.multi_reduction <minimumf>, %select_n3A_338, %reduce_min3A_339 [1] : vector<512x2048xf32> to vector<512xf32>
    %broadcast_in_dim3A_341 = vector.shape_cast %reduce_min3A_340 : vector<512xf32> to vector<512x1xf32>
    %mul3A_342 = arith.mulf %get3A_323, %get3A_323 : vector<512x32xf32>
    %reduce_sum3A_343 = arith.constant dense<0.000000e+00> : vector<512xf32>
    %reduce_sum3A_344 = vector.multi_reduction <add>, %mul3A_342, %reduce_sum3A_343 [1] : vector<512x32xf32> to vector<512xf32>
    %broadcast_in_dim3A_345 = vector.shape_cast %reduce_sum3A_344 : vector<512xf32> to vector<512x1xf32>
    %add3A_346 = arith.addf %broadcast_in_dim3A_333, %broadcast_in_dim3A_345 : vector<512x1xf32>
    %convert_element_type3A_347 = arith.fptosi %broadcast_in_dim3A_341 : vector<512x1xf32> to vector<512x1xi32>
    %mul3A_348 = arith.constant 2048 : i32
    %mul3A_349 = arith.muli %arg0, %mul3A_348 : i32
    %add3A_350 = vector.broadcast %mul3A_349 : i32 to vector<512x1xi32>
    %add3A_351 = arith.addi %convert_element_type3A_347, %add3A_350 : vector<512x1xi32>
    %reshape3A_352 = vector.shape_cast %add3A_351 : vector<512x1xi32> to vector<512xi32>
    %swap3A_353 = arith.constant 0 : index
    %swap3A_354 = arith.constant 0 : index
    %swap3A_355 = arith.constant 3584 : index
    %swap3A_356 = vector.load %arg3[%swap3A_353, %swap3A_354, %swap3A_355] : memref<1x1x4096xi32, #tpu.memory_space<vmem>>, vector<1x1x512xi32>
    %swap3A_357 = vector.shape_cast %swap3A_356 : vector<1x1x512xi32> to vector<512xi32>
    %swap3A_358 = vector.shape_cast %reshape3A_352 : vector<512xi32> to vector<1x1x512xi32>
    tpu.vector_store %arg3[%swap3A_353, %swap3A_354, %swap3A_355], %swap3A_358 {strides = array<i32>} : memref<1x1x4096xi32, #tpu.memory_space<vmem>>, vector<1x1x512xi32>,
    %swap3A_359 = arith.constant 0 : index
    %swap3A_360 = arith.constant 0 : index
    %swap3A_361 = arith.constant 7 : index
    %swap3A_362 = vector.load %arg4[%swap3A_359, %swap3A_360, %swap3A_361] : memref<1x512x8xf32, #tpu.memory_space<vmem>>, vector<1x512x1xf32>
    %swap3A_363 = vector.shape_cast %swap3A_362 : vector<1x512x1xf32> to vector<512x1xf32>
    %swap3A_364 = vector.shape_cast %add3A_346 : vector<512x1xf32> to vector<1x512x1xf32>
    tpu.vector_store %arg4[%swap3A_359, %swap3A_360, %swap3A_361], %swap3A_364 {strides = array<i32>} : memref<1x512x8xf32, #tpu.memory_space<vmem>>, vector<1x512x1xf32>,
    return
  }
  func.func @transform_0(%arg0: i32) -> (i32, i32, i32) {
    %c0_i32 = arith.constant 0 : i32
    %c0_i32_0 = arith.constant 0 : i32
    %c0_i32_1 = arith.constant 0 : i32
    return %arg0, %c0_i32, %c0_i32_0 : i32, i32, i32
  }
  func.func @transform_1(%arg0: i32) -> (i32, i32, i32) {
    %c0_i32 = arith.constant 0 : i32
    %c0_i32_0 = arith.constant 0 : i32
    %c0_i32_1 = arith.constant 0 : i32
    return %arg0, %c0_i32, %c0_i32_0 : i32, i32, i32
  }
  func.func @transform_2(%arg0: i32) -> (i32, i32, i32) {
    %c0_i32 = arith.constant 0 : i32
    %c0_i32_0 = arith.constant 0 : i32
    %c0_i32_1 = arith.constant 0 : i32
    return %arg0, %c0_i32, %c0_i32_0 : i32, i32, i32
  }
  func.func @transform_3(%arg0: i32) -> (i32, i32, i32) {
    %c0_i32 = arith.constant 0 : i32
    %c0_i32_0 = arith.constant 0 : i32
    %c0_i32_1 = arith.constant 0 : i32
    return %arg0, %c0_i32, %c0_i32_0 : i32, i32, i32
  }
}

module attributes {stable_mosaic.version = 14 : i64} {
  func.func @_k3_body(%arg0: i32, %arg1: memref<1x4096x32xf32, #tpu.memory_space<vmem>>, %arg2: memref<1x4096x32xf32, #tpu.memory_space<vmem>>, %arg3: memref<1x512x8xf32, #tpu.memory_space<vmem>>, %arg4: memref<1x4096x32xf32, #tpu.memory_space<vmem>>) attributes {dimension_semantics = [#tpu.dimension_semantics<arbitrary>], iteration_bounds = array<i64: 4>, scalar_prefetch = 0 : i64, scratch_operands = 0 : i64, tpu.core_type = #tpu.core_type<tc>, window_params = [{transform_indices = @transform_0, window_bounds = array<i64: 1, 4096, 32>}, {transform_indices = @transform_1, window_bounds = array<i64: 1, 4096, 32>}, {transform_indices = @transform_2, window_bounds = array<i64: 1, 512, 8>}, {transform_indices = @transform_3, window_bounds = array<i64: 1, 4096, 32>}]} {
    %get3A = arith.constant 0 : index
    %get3A_0 = arith.constant 0 : index
    %get3A_1 = arith.constant 0 : index
    %get3A_2 = vector.load %arg3[%get3A, %get3A_0, %get3A_1] : memref<1x512x8xf32, #tpu.memory_space<vmem>>, vector<1x512x8xf32>
    %get3A_3 = vector.shape_cast %get3A_2 : vector<1x512x8xf32> to vector<512x8xf32>
    %reduce_max3A = vector.shape_cast %get3A_3 : vector<512x8xf32> to vector<1x512x8xf32>
    %reduce_max3A_4 = arith.constant dense<0xFF800000> : vector<1xf32>
    %reduce_max3A_5 = vector.multi_reduction <maximumf>, %reduce_max3A, %reduce_max3A_4 [1, 2] : vector<1x512x8xf32> to vector<1xf32>
    %reduce_max3A_6 = vector.shape_cast %reduce_max3A_5 : vector<1xf32> to vector<1x1x1xf32>
    %reduce_max3A_7 = vector.extract %reduce_max3A_6[0, 0, 0] : f32 from vector<1x1x1xf32>
    %max3A = arith.constant 9.99999996E-13 : f32
    %max3A_8 = arith.maximumf %reduce_max3A_7, %max3A : f32
    %sqrt3A = math.sqrt %max3A_8 : f32
    %add3A = arith.constant 9.99999997E-7 : f32
    %add3A_9 = arith.addf %sqrt3A, %add3A : f32
    %get3A_10 = arith.constant 0 : index
    %get3A_11 = arith.constant 0 : index
    %get3A_12 = arith.constant 0 : index
    %get3A_13 = vector.load %arg1[%get3A_10, %get3A_11, %get3A_12] : memref<1x4096x32xf32, #tpu.memory_space<vmem>>, vector<1x512x32xf32>
    %get3A_14 = vector.shape_cast %get3A_13 : vector<1x512x32xf32> to vector<512x32xf32>
    %get3A_15 = arith.constant 0 : index
    %get3A_16 = arith.constant 0 : index
    %get3A_17 = arith.constant 0 : index
    %get3A_18 = vector.load %arg2[%get3A_15, %get3A_16, %get3A_17] : memref<1x4096x32xf32, #tpu.memory_space<vmem>>, vector<1x512x32xf32>
    %get3A_19 = vector.shape_cast %get3A_18 : vector<1x512x32xf32> to vector<512x32xf32>
    %get3A_20 = arith.constant 0 : index
    %get3A_21 = arith.constant 0 : index
    %get3A_22 = arith.constant 0 : index
    %get3A_23 = vector.load %arg3[%get3A_20, %get3A_21, %get3A_22] : memref<1x512x8xf32, #tpu.memory_space<vmem>>, vector<1x512x1xf32>
    %get3A_24 = vector.shape_cast %get3A_23 : vector<1x512x1xf32> to vector<512x1xf32>
    %max3A_25 = arith.constant 9.99999996E-13 : f32
    %max3A_26 = vector.broadcast %max3A_25 : f32 to vector<512x1xf32>
    %max3A_27 = arith.maximumf %get3A_24, %max3A_26 : vector<512x1xf32>
    %sqrt3A_28 = math.sqrt %max3A_27 : vector<512x1xf32>
    %div3A = vector.broadcast %add3A_9 : f32 to vector<512x1xf32>
    %div3A_29 = arith.divf %sqrt3A_28, %div3A : vector<512x1xf32>
    %sub3A = arith.constant 2.000000e+00 : f32
    %sub3A_30 = vector.broadcast %sub3A : f32 to vector<512x1xf32>
    %sub3A_31 = arith.subf %sub3A_30, %div3A_29 : vector<512x1xf32>
    %mul3A = arith.constant 5.000000e-02 : f32
    %mul3A_32 = vector.broadcast %mul3A : f32 to vector<512x1xf32>
    %mul3A_33 = arith.mulf %mul3A_32, %sub3A_31 : vector<512x1xf32>
    %sub3A_34 = arith.subf %get3A_19, %get3A_14 : vector<512x32xf32>
    %mul3A_35 = vector.broadcast %mul3A_33 : vector<512x1xf32> to vector<512x32xf32>
    %mul3A_36 = arith.mulf %mul3A_35, %sub3A_34 : vector<512x32xf32>
    %add3A_37 = arith.addf %get3A_14, %mul3A_36 : vector<512x32xf32>
    %swap3A = arith.constant 0 : index
    %swap3A_38 = arith.constant 0 : index
    %swap3A_39 = arith.constant 0 : index
    %swap3A_40 = vector.load %arg4[%swap3A, %swap3A_38, %swap3A_39] : memref<1x4096x32xf32, #tpu.memory_space<vmem>>, vector<1x512x32xf32>
    %swap3A_41 = vector.shape_cast %swap3A_40 : vector<1x512x32xf32> to vector<512x32xf32>
    %swap3A_42 = vector.shape_cast %add3A_37 : vector<512x32xf32> to vector<1x512x32xf32>
    tpu.vector_store %arg4[%swap3A, %swap3A_38, %swap3A_39], %swap3A_42 {strides = array<i32>} : memref<1x4096x32xf32, #tpu.memory_space<vmem>>, vector<1x512x32xf32>,
    %get3A_43 = arith.constant 0 : index
    %get3A_44 = arith.constant 512 : index
    %get3A_45 = arith.constant 0 : index
    %get3A_46 = vector.load %arg1[%get3A_43, %get3A_44, %get3A_45] : memref<1x4096x32xf32, #tpu.memory_space<vmem>>, vector<1x512x32xf32>
    %get3A_47 = vector.shape_cast %get3A_46 : vector<1x512x32xf32> to vector<512x32xf32>
    %get3A_48 = arith.constant 0 : index
    %get3A_49 = arith.constant 512 : index
    %get3A_50 = arith.constant 0 : index
    %get3A_51 = vector.load %arg2[%get3A_48, %get3A_49, %get3A_50] : memref<1x4096x32xf32, #tpu.memory_space<vmem>>, vector<1x512x32xf32>
    %get3A_52 = vector.shape_cast %get3A_51 : vector<1x512x32xf32> to vector<512x32xf32>
    %get3A_53 = arith.constant 0 : index
    %get3A_54 = arith.constant 0 : index
    %get3A_55 = arith.constant 1 : index
    %get3A_56 = vector.load %arg3[%get3A_53, %get3A_54, %get3A_55] : memref<1x512x8xf32, #tpu.memory_space<vmem>>, vector<1x512x1xf32>
    %get3A_57 = vector.shape_cast %get3A_56 : vector<1x512x1xf32> to vector<512x1xf32>
    %max3A_58 = arith.constant 9.99999996E-13 : f32
    %max3A_59 = vector.broadcast %max3A_58 : f32 to vector<512x1xf32>
    %max3A_60 = arith.maximumf %get3A_57, %max3A_59 : vector<512x1xf32>
    %sqrt3A_61 = math.sqrt %max3A_60 : vector<512x1xf32>
    %div3A_62 = vector.broadcast %add3A_9 : f32 to vector<512x1xf32>
    %div3A_63 = arith.divf %sqrt3A_61, %div3A_62 : vector<512x1xf32>
    %sub3A_64 = arith.constant 2.000000e+00 : f32
    %sub3A_65 = vector.broadcast %sub3A_64 : f32 to vector<512x1xf32>
    %sub3A_66 = arith.subf %sub3A_65, %div3A_63 : vector<512x1xf32>
    %mul3A_67 = arith.constant 5.000000e-02 : f32
    %mul3A_68 = vector.broadcast %mul3A_67 : f32 to vector<512x1xf32>
    %mul3A_69 = arith.mulf %mul3A_68, %sub3A_66 : vector<512x1xf32>
    %sub3A_70 = arith.subf %get3A_52, %get3A_47 : vector<512x32xf32>
    %mul3A_71 = vector.broadcast %mul3A_69 : vector<512x1xf32> to vector<512x32xf32>
    %mul3A_72 = arith.mulf %mul3A_71, %sub3A_70 : vector<512x32xf32>
    %add3A_73 = arith.addf %get3A_47, %mul3A_72 : vector<512x32xf32>
    %swap3A_74 = arith.constant 0 : index
    %swap3A_75 = arith.constant 512 : index
    %swap3A_76 = arith.constant 0 : index
    %swap3A_77 = vector.load %arg4[%swap3A_74, %swap3A_75, %swap3A_76] : memref<1x4096x32xf32, #tpu.memory_space<vmem>>, vector<1x512x32xf32>
    %swap3A_78 = vector.shape_cast %swap3A_77 : vector<1x512x32xf32> to vector<512x32xf32>
    %swap3A_79 = vector.shape_cast %add3A_73 : vector<512x32xf32> to vector<1x512x32xf32>
    tpu.vector_store %arg4[%swap3A_74, %swap3A_75, %swap3A_76], %swap3A_79 {strides = array<i32>} : memref<1x4096x32xf32, #tpu.memory_space<vmem>>, vector<1x512x32xf32>,
    %get3A_80 = arith.constant 0 : index
    %get3A_81 = arith.constant 1024 : index
    %get3A_82 = arith.constant 0 : index
    %get3A_83 = vector.load %arg1[%get3A_80, %get3A_81, %get3A_82] : memref<1x4096x32xf32, #tpu.memory_space<vmem>>, vector<1x512x32xf32>
    %get3A_84 = vector.shape_cast %get3A_83 : vector<1x512x32xf32> to vector<512x32xf32>
    %get3A_85 = arith.constant 0 : index
    %get3A_86 = arith.constant 1024 : index
    %get3A_87 = arith.constant 0 : index
    %get3A_88 = vector.load %arg2[%get3A_85, %get3A_86, %get3A_87] : memref<1x4096x32xf32, #tpu.memory_space<vmem>>, vector<1x512x32xf32>
    %get3A_89 = vector.shape_cast %get3A_88 : vector<1x512x32xf32> to vector<512x32xf32>
    %get3A_90 = arith.constant 0 : index
    %get3A_91 = arith.constant 0 : index
    %get3A_92 = arith.constant 2 : index
    %get3A_93 = vector.load %arg3[%get3A_90, %get3A_91, %get3A_92] : memref<1x512x8xf32, #tpu.memory_space<vmem>>, vector<1x512x1xf32>
    %get3A_94 = vector.shape_cast %get3A_93 : vector<1x512x1xf32> to vector<512x1xf32>
    %max3A_95 = arith.constant 9.99999996E-13 : f32
    %max3A_96 = vector.broadcast %max3A_95 : f32 to vector<512x1xf32>
    %max3A_97 = arith.maximumf %get3A_94, %max3A_96 : vector<512x1xf32>
    %sqrt3A_98 = math.sqrt %max3A_97 : vector<512x1xf32>
    %div3A_99 = vector.broadcast %add3A_9 : f32 to vector<512x1xf32>
    %div3A_100 = arith.divf %sqrt3A_98, %div3A_99 : vector<512x1xf32>
    %sub3A_101 = arith.constant 2.000000e+00 : f32
    %sub3A_102 = vector.broadcast %sub3A_101 : f32 to vector<512x1xf32>
    %sub3A_103 = arith.subf %sub3A_102, %div3A_100 : vector<512x1xf32>
    %mul3A_104 = arith.constant 5.000000e-02 : f32
    %mul3A_105 = vector.broadcast %mul3A_104 : f32 to vector<512x1xf32>
    %mul3A_106 = arith.mulf %mul3A_105, %sub3A_103 : vector<512x1xf32>
    %sub3A_107 = arith.subf %get3A_89, %get3A_84 : vector<512x32xf32>
    %mul3A_108 = vector.broadcast %mul3A_106 : vector<512x1xf32> to vector<512x32xf32>
    %mul3A_109 = arith.mulf %mul3A_108, %sub3A_107 : vector<512x32xf32>
    %add3A_110 = arith.addf %get3A_84, %mul3A_109 : vector<512x32xf32>
    %swap3A_111 = arith.constant 0 : index
    %swap3A_112 = arith.constant 1024 : index
    %swap3A_113 = arith.constant 0 : index
    %swap3A_114 = vector.load %arg4[%swap3A_111, %swap3A_112, %swap3A_113] : memref<1x4096x32xf32, #tpu.memory_space<vmem>>, vector<1x512x32xf32>
    %swap3A_115 = vector.shape_cast %swap3A_114 : vector<1x512x32xf32> to vector<512x32xf32>
    %swap3A_116 = vector.shape_cast %add3A_110 : vector<512x32xf32> to vector<1x512x32xf32>
    tpu.vector_store %arg4[%swap3A_111, %swap3A_112, %swap3A_113], %swap3A_116 {strides = array<i32>} : memref<1x4096x32xf32, #tpu.memory_space<vmem>>, vector<1x512x32xf32>,
    %get3A_117 = arith.constant 0 : index
    %get3A_118 = arith.constant 1536 : index
    %get3A_119 = arith.constant 0 : index
    %get3A_120 = vector.load %arg1[%get3A_117, %get3A_118, %get3A_119] : memref<1x4096x32xf32, #tpu.memory_space<vmem>>, vector<1x512x32xf32>
    %get3A_121 = vector.shape_cast %get3A_120 : vector<1x512x32xf32> to vector<512x32xf32>
    %get3A_122 = arith.constant 0 : index
    %get3A_123 = arith.constant 1536 : index
    %get3A_124 = arith.constant 0 : index
    %get3A_125 = vector.load %arg2[%get3A_122, %get3A_123, %get3A_124] : memref<1x4096x32xf32, #tpu.memory_space<vmem>>, vector<1x512x32xf32>
    %get3A_126 = vector.shape_cast %get3A_125 : vector<1x512x32xf32> to vector<512x32xf32>
    %get3A_127 = arith.constant 0 : index
    %get3A_128 = arith.constant 0 : index
    %get3A_129 = arith.constant 3 : index
    %get3A_130 = vector.load %arg3[%get3A_127, %get3A_128, %get3A_129] : memref<1x512x8xf32, #tpu.memory_space<vmem>>, vector<1x512x1xf32>
    %get3A_131 = vector.shape_cast %get3A_130 : vector<1x512x1xf32> to vector<512x1xf32>
    %max3A_132 = arith.constant 9.99999996E-13 : f32
    %max3A_133 = vector.broadcast %max3A_132 : f32 to vector<512x1xf32>
    %max3A_134 = arith.maximumf %get3A_131, %max3A_133 : vector<512x1xf32>
    %sqrt3A_135 = math.sqrt %max3A_134 : vector<512x1xf32>
    %div3A_136 = vector.broadcast %add3A_9 : f32 to vector<512x1xf32>
    %div3A_137 = arith.divf %sqrt3A_135, %div3A_136 : vector<512x1xf32>
    %sub3A_138 = arith.constant 2.000000e+00 : f32
    %sub3A_139 = vector.broadcast %sub3A_138 : f32 to vector<512x1xf32>
    %sub3A_140 = arith.subf %sub3A_139, %div3A_137 : vector<512x1xf32>
    %mul3A_141 = arith.constant 5.000000e-02 : f32
    %mul3A_142 = vector.broadcast %mul3A_141 : f32 to vector<512x1xf32>
    %mul3A_143 = arith.mulf %mul3A_142, %sub3A_140 : vector<512x1xf32>
    %sub3A_144 = arith.subf %get3A_126, %get3A_121 : vector<512x32xf32>
    %mul3A_145 = vector.broadcast %mul3A_143 : vector<512x1xf32> to vector<512x32xf32>
    %mul3A_146 = arith.mulf %mul3A_145, %sub3A_144 : vector<512x32xf32>
    %add3A_147 = arith.addf %get3A_121, %mul3A_146 : vector<512x32xf32>
    %swap3A_148 = arith.constant 0 : index
    %swap3A_149 = arith.constant 1536 : index
    %swap3A_150 = arith.constant 0 : index
    %swap3A_151 = vector.load %arg4[%swap3A_148, %swap3A_149, %swap3A_150] : memref<1x4096x32xf32, #tpu.memory_space<vmem>>, vector<1x512x32xf32>
    %swap3A_152 = vector.shape_cast %swap3A_151 : vector<1x512x32xf32> to vector<512x32xf32>
    %swap3A_153 = vector.shape_cast %add3A_147 : vector<512x32xf32> to vector<1x512x32xf32>
    tpu.vector_store %arg4[%swap3A_148, %swap3A_149, %swap3A_150], %swap3A_153 {strides = array<i32>} : memref<1x4096x32xf32, #tpu.memory_space<vmem>>, vector<1x512x32xf32>,
    %get3A_154 = arith.constant 0 : index
    %get3A_155 = arith.constant 2048 : index
    %get3A_156 = arith.constant 0 : index
    %get3A_157 = vector.load %arg1[%get3A_154, %get3A_155, %get3A_156] : memref<1x4096x32xf32, #tpu.memory_space<vmem>>, vector<1x512x32xf32>
    %get3A_158 = vector.shape_cast %get3A_157 : vector<1x512x32xf32> to vector<512x32xf32>
    %get3A_159 = arith.constant 0 : index
    %get3A_160 = arith.constant 2048 : index
    %get3A_161 = arith.constant 0 : index
    %get3A_162 = vector.load %arg2[%get3A_159, %get3A_160, %get3A_161] : memref<1x4096x32xf32, #tpu.memory_space<vmem>>, vector<1x512x32xf32>
    %get3A_163 = vector.shape_cast %get3A_162 : vector<1x512x32xf32> to vector<512x32xf32>
    %get3A_164 = arith.constant 0 : index
    %get3A_165 = arith.constant 0 : index
    %get3A_166 = arith.constant 4 : index
    %get3A_167 = vector.load %arg3[%get3A_164, %get3A_165, %get3A_166] : memref<1x512x8xf32, #tpu.memory_space<vmem>>, vector<1x512x1xf32>
    %get3A_168 = vector.shape_cast %get3A_167 : vector<1x512x1xf32> to vector<512x1xf32>
    %max3A_169 = arith.constant 9.99999996E-13 : f32
    %max3A_170 = vector.broadcast %max3A_169 : f32 to vector<512x1xf32>
    %max3A_171 = arith.maximumf %get3A_168, %max3A_170 : vector<512x1xf32>
    %sqrt3A_172 = math.sqrt %max3A_171 : vector<512x1xf32>
    %div3A_173 = vector.broadcast %add3A_9 : f32 to vector<512x1xf32>
    %div3A_174 = arith.divf %sqrt3A_172, %div3A_173 : vector<512x1xf32>
    %sub3A_175 = arith.constant 2.000000e+00 : f32
    %sub3A_176 = vector.broadcast %sub3A_175 : f32 to vector<512x1xf32>
    %sub3A_177 = arith.subf %sub3A_176, %div3A_174 : vector<512x1xf32>
    %mul3A_178 = arith.constant 5.000000e-02 : f32
    %mul3A_179 = vector.broadcast %mul3A_178 : f32 to vector<512x1xf32>
    %mul3A_180 = arith.mulf %mul3A_179, %sub3A_177 : vector<512x1xf32>
    %sub3A_181 = arith.subf %get3A_163, %get3A_158 : vector<512x32xf32>
    %mul3A_182 = vector.broadcast %mul3A_180 : vector<512x1xf32> to vector<512x32xf32>
    %mul3A_183 = arith.mulf %mul3A_182, %sub3A_181 : vector<512x32xf32>
    %add3A_184 = arith.addf %get3A_158, %mul3A_183 : vector<512x32xf32>
    %swap3A_185 = arith.constant 0 : index
    %swap3A_186 = arith.constant 2048 : index
    %swap3A_187 = arith.constant 0 : index
    %swap3A_188 = vector.load %arg4[%swap3A_185, %swap3A_186, %swap3A_187] : memref<1x4096x32xf32, #tpu.memory_space<vmem>>, vector<1x512x32xf32>
    %swap3A_189 = vector.shape_cast %swap3A_188 : vector<1x512x32xf32> to vector<512x32xf32>
    %swap3A_190 = vector.shape_cast %add3A_184 : vector<512x32xf32> to vector<1x512x32xf32>
    tpu.vector_store %arg4[%swap3A_185, %swap3A_186, %swap3A_187], %swap3A_190 {strides = array<i32>} : memref<1x4096x32xf32, #tpu.memory_space<vmem>>, vector<1x512x32xf32>,
    %get3A_191 = arith.constant 0 : index
    %get3A_192 = arith.constant 2560 : index
    %get3A_193 = arith.constant 0 : index
    %get3A_194 = vector.load %arg1[%get3A_191, %get3A_192, %get3A_193] : memref<1x4096x32xf32, #tpu.memory_space<vmem>>, vector<1x512x32xf32>
    %get3A_195 = vector.shape_cast %get3A_194 : vector<1x512x32xf32> to vector<512x32xf32>
    %get3A_196 = arith.constant 0 : index
    %get3A_197 = arith.constant 2560 : index
    %get3A_198 = arith.constant 0 : index
    %get3A_199 = vector.load %arg2[%get3A_196, %get3A_197, %get3A_198] : memref<1x4096x32xf32, #tpu.memory_space<vmem>>, vector<1x512x32xf32>
    %get3A_200 = vector.shape_cast %get3A_199 : vector<1x512x32xf32> to vector<512x32xf32>
    %get3A_201 = arith.constant 0 : index
    %get3A_202 = arith.constant 0 : index
    %get3A_203 = arith.constant 5 : index
    %get3A_204 = vector.load %arg3[%get3A_201, %get3A_202, %get3A_203] : memref<1x512x8xf32, #tpu.memory_space<vmem>>, vector<1x512x1xf32>
    %get3A_205 = vector.shape_cast %get3A_204 : vector<1x512x1xf32> to vector<512x1xf32>
    %max3A_206 = arith.constant 9.99999996E-13 : f32
    %max3A_207 = vector.broadcast %max3A_206 : f32 to vector<512x1xf32>
    %max3A_208 = arith.maximumf %get3A_205, %max3A_207 : vector<512x1xf32>
    %sqrt3A_209 = math.sqrt %max3A_208 : vector<512x1xf32>
    %div3A_210 = vector.broadcast %add3A_9 : f32 to vector<512x1xf32>
    %div3A_211 = arith.divf %sqrt3A_209, %div3A_210 : vector<512x1xf32>
    %sub3A_212 = arith.constant 2.000000e+00 : f32
    %sub3A_213 = vector.broadcast %sub3A_212 : f32 to vector<512x1xf32>
    %sub3A_214 = arith.subf %sub3A_213, %div3A_211 : vector<512x1xf32>
    %mul3A_215 = arith.constant 5.000000e-02 : f32
    %mul3A_216 = vector.broadcast %mul3A_215 : f32 to vector<512x1xf32>
    %mul3A_217 = arith.mulf %mul3A_216, %sub3A_214 : vector<512x1xf32>
    %sub3A_218 = arith.subf %get3A_200, %get3A_195 : vector<512x32xf32>
    %mul3A_219 = vector.broadcast %mul3A_217 : vector<512x1xf32> to vector<512x32xf32>
    %mul3A_220 = arith.mulf %mul3A_219, %sub3A_218 : vector<512x32xf32>
    %add3A_221 = arith.addf %get3A_195, %mul3A_220 : vector<512x32xf32>
    %swap3A_222 = arith.constant 0 : index
    %swap3A_223 = arith.constant 2560 : index
    %swap3A_224 = arith.constant 0 : index
    %swap3A_225 = vector.load %arg4[%swap3A_222, %swap3A_223, %swap3A_224] : memref<1x4096x32xf32, #tpu.memory_space<vmem>>, vector<1x512x32xf32>
    %swap3A_226 = vector.shape_cast %swap3A_225 : vector<1x512x32xf32> to vector<512x32xf32>
    %swap3A_227 = vector.shape_cast %add3A_221 : vector<512x32xf32> to vector<1x512x32xf32>
    tpu.vector_store %arg4[%swap3A_222, %swap3A_223, %swap3A_224], %swap3A_227 {strides = array<i32>} : memref<1x4096x32xf32, #tpu.memory_space<vmem>>, vector<1x512x32xf32>,
    %get3A_228 = arith.constant 0 : index
    %get3A_229 = arith.constant 3072 : index
    %get3A_230 = arith.constant 0 : index
    %get3A_231 = vector.load %arg1[%get3A_228, %get3A_229, %get3A_230] : memref<1x4096x32xf32, #tpu.memory_space<vmem>>, vector<1x512x32xf32>
    %get3A_232 = vector.shape_cast %get3A_231 : vector<1x512x32xf32> to vector<512x32xf32>
    %get3A_233 = arith.constant 0 : index
    %get3A_234 = arith.constant 3072 : index
    %get3A_235 = arith.constant 0 : index
    %get3A_236 = vector.load %arg2[%get3A_233, %get3A_234, %get3A_235] : memref<1x4096x32xf32, #tpu.memory_space<vmem>>, vector<1x512x32xf32>
    %get3A_237 = vector.shape_cast %get3A_236 : vector<1x512x32xf32> to vector<512x32xf32>
    %get3A_238 = arith.constant 0 : index
    %get3A_239 = arith.constant 0 : index
    %get3A_240 = arith.constant 6 : index
    %get3A_241 = vector.load %arg3[%get3A_238, %get3A_239, %get3A_240] : memref<1x512x8xf32, #tpu.memory_space<vmem>>, vector<1x512x1xf32>
    %get3A_242 = vector.shape_cast %get3A_241 : vector<1x512x1xf32> to vector<512x1xf32>
    %max3A_243 = arith.constant 9.99999996E-13 : f32
    %max3A_244 = vector.broadcast %max3A_243 : f32 to vector<512x1xf32>
    %max3A_245 = arith.maximumf %get3A_242, %max3A_244 : vector<512x1xf32>
    %sqrt3A_246 = math.sqrt %max3A_245 : vector<512x1xf32>
    %div3A_247 = vector.broadcast %add3A_9 : f32 to vector<512x1xf32>
    %div3A_248 = arith.divf %sqrt3A_246, %div3A_247 : vector<512x1xf32>
    %sub3A_249 = arith.constant 2.000000e+00 : f32
    %sub3A_250 = vector.broadcast %sub3A_249 : f32 to vector<512x1xf32>
    %sub3A_251 = arith.subf %sub3A_250, %div3A_248 : vector<512x1xf32>
    %mul3A_252 = arith.constant 5.000000e-02 : f32
    %mul3A_253 = vector.broadcast %mul3A_252 : f32 to vector<512x1xf32>
    %mul3A_254 = arith.mulf %mul3A_253, %sub3A_251 : vector<512x1xf32>
    %sub3A_255 = arith.subf %get3A_237, %get3A_232 : vector<512x32xf32>
    %mul3A_256 = vector.broadcast %mul3A_254 : vector<512x1xf32> to vector<512x32xf32>
    %mul3A_257 = arith.mulf %mul3A_256, %sub3A_255 : vector<512x32xf32>
    %add3A_258 = arith.addf %get3A_232, %mul3A_257 : vector<512x32xf32>
    %swap3A_259 = arith.constant 0 : index
    %swap3A_260 = arith.constant 3072 : index
    %swap3A_261 = arith.constant 0 : index
    %swap3A_262 = vector.load %arg4[%swap3A_259, %swap3A_260, %swap3A_261] : memref<1x4096x32xf32, #tpu.memory_space<vmem>>, vector<1x512x32xf32>
    %swap3A_263 = vector.shape_cast %swap3A_262 : vector<1x512x32xf32> to vector<512x32xf32>
    %swap3A_264 = vector.shape_cast %add3A_258 : vector<512x32xf32> to vector<1x512x32xf32>
    tpu.vector_store %arg4[%swap3A_259, %swap3A_260, %swap3A_261], %swap3A_264 {strides = array<i32>} : memref<1x4096x32xf32, #tpu.memory_space<vmem>>, vector<1x512x32xf32>,
    %get3A_265 = arith.constant 0 : index
    %get3A_266 = arith.constant 3584 : index
    %get3A_267 = arith.constant 0 : index
    %get3A_268 = vector.load %arg1[%get3A_265, %get3A_266, %get3A_267] : memref<1x4096x32xf32, #tpu.memory_space<vmem>>, vector<1x512x32xf32>
    %get3A_269 = vector.shape_cast %get3A_268 : vector<1x512x32xf32> to vector<512x32xf32>
    %get3A_270 = arith.constant 0 : index
    %get3A_271 = arith.constant 3584 : index
    %get3A_272 = arith.constant 0 : index
    %get3A_273 = vector.load %arg2[%get3A_270, %get3A_271, %get3A_272] : memref<1x4096x32xf32, #tpu.memory_space<vmem>>, vector<1x512x32xf32>
    %get3A_274 = vector.shape_cast %get3A_273 : vector<1x512x32xf32> to vector<512x32xf32>
    %get3A_275 = arith.constant 0 : index
    %get3A_276 = arith.constant 0 : index
    %get3A_277 = arith.constant 7 : index
    %get3A_278 = vector.load %arg3[%get3A_275, %get3A_276, %get3A_277] : memref<1x512x8xf32, #tpu.memory_space<vmem>>, vector<1x512x1xf32>
    %get3A_279 = vector.shape_cast %get3A_278 : vector<1x512x1xf32> to vector<512x1xf32>
    %max3A_280 = arith.constant 9.99999996E-13 : f32
    %max3A_281 = vector.broadcast %max3A_280 : f32 to vector<512x1xf32>
    %max3A_282 = arith.maximumf %get3A_279, %max3A_281 : vector<512x1xf32>
    %sqrt3A_283 = math.sqrt %max3A_282 : vector<512x1xf32>
    %div3A_284 = vector.broadcast %add3A_9 : f32 to vector<512x1xf32>
    %div3A_285 = arith.divf %sqrt3A_283, %div3A_284 : vector<512x1xf32>
    %sub3A_286 = arith.constant 2.000000e+00 : f32
    %sub3A_287 = vector.broadcast %sub3A_286 : f32 to vector<512x1xf32>
    %sub3A_288 = arith.subf %sub3A_287, %div3A_285 : vector<512x1xf32>
    %mul3A_289 = arith.constant 5.000000e-02 : f32
    %mul3A_290 = vector.broadcast %mul3A_289 : f32 to vector<512x1xf32>
    %mul3A_291 = arith.mulf %mul3A_290, %sub3A_288 : vector<512x1xf32>
    %sub3A_292 = arith.subf %get3A_274, %get3A_269 : vector<512x32xf32>
    %mul3A_293 = vector.broadcast %mul3A_291 : vector<512x1xf32> to vector<512x32xf32>
    %mul3A_294 = arith.mulf %mul3A_293, %sub3A_292 : vector<512x32xf32>
    %add3A_295 = arith.addf %get3A_269, %mul3A_294 : vector<512x32xf32>
    %swap3A_296 = arith.constant 0 : index
    %swap3A_297 = arith.constant 3584 : index
    %swap3A_298 = arith.constant 0 : index
    %swap3A_299 = vector.load %arg4[%swap3A_296, %swap3A_297, %swap3A_298] : memref<1x4096x32xf32, #tpu.memory_space<vmem>>, vector<1x512x32xf32>
    %swap3A_300 = vector.shape_cast %swap3A_299 : vector<1x512x32xf32> to vector<512x32xf32>
    %swap3A_301 = vector.shape_cast %add3A_295 : vector<512x32xf32> to vector<1x512x32xf32>
    tpu.vector_store %arg4[%swap3A_296, %swap3A_297, %swap3A_298], %swap3A_301 {strides = array<i32>} : memref<1x4096x32xf32, #tpu.memory_space<vmem>>, vector<1x512x32xf32>,
    return
  }
  func.func @transform_0(%arg0: i32) -> (i32, i32, i32) {
    %c0_i32 = arith.constant 0 : i32
    %c0_i32_0 = arith.constant 0 : i32
    %c0_i32_1 = arith.constant 0 : i32
    return %arg0, %c0_i32, %c0_i32_0 : i32, i32, i32
  }
  func.func @transform_1(%arg0: i32) -> (i32, i32, i32) {
    %c0_i32 = arith.constant 0 : i32
    %c0_i32_0 = arith.constant 0 : i32
    %c0_i32_1 = arith.constant 0 : i32
    return %arg0, %c0_i32, %c0_i32_0 : i32, i32, i32
  }
  func.func @transform_2(%arg0: i32) -> (i32, i32, i32) {
    %c0_i32 = arith.constant 0 : i32
    %c0_i32_0 = arith.constant 0 : i32
    %c0_i32_1 = arith.constant 0 : i32
    return %arg0, %c0_i32, %c0_i32_0 : i32, i32, i32
  }
  func.func @transform_3(%arg0: i32) -> (i32, i32, i32) {
    %c0_i32 = arith.constant 0 : i32
    %c0_i32_0 = arith.constant 0 : i32
    %c0_i32_1 = arith.constant 0 : i32
    return %arg0, %c0_i32, %c0_i32_0 : i32, i32, i32
  }
}

</mosaic_0001>

<sc_bundles>
// kernel: kernel.10.cloned.1.call-start
scs
__scs_entry_jumppad:
0x0: {  	(pc) =	sbr.rel $0x88, $3  }
0x1: {  	(tag) =	ssettag $0x0;
	lr =	simm.s32 $0x1  }
0x2: {  	[smem:$0x3F9F] =	sst lr;
	_ =	strace $0xD0000000  }
0x3: {  	_ = 	snop  }
0x4: {  	_ = 	snop  }
0x5: {  	_ = 	snop  }
0x6: {  	_ = 	snop  }
0x7: {  	_ = 	snop  }
__scs_overlays_trampoline_lowered:
0x8: {  	[smem:$0x3FAE] =	sst s0  }
0x9: {  	[smem:$0x3FAF] =	sst s1  }
0xa: {  	[smem:$0x3FB0] =	sst s2  }
0xb: {  	[smem:$0x3FB1] =	sst s3  }
0xc: {  	[smem:$0x3FB2] =	sst s4  }
0xd: {  	[smem:$0x3FB3] =	sst s5  }
0xe: {  	[smem:$0x3FB4] =	sst s6  }
0xf: {  	[smem:$0x3FB5] =	sst s7  }
0x10: {  	[smem:$0x3FB6] =	sst s8  }
0x11: {  	[smem:$0x3FB7] =	sst s9;
	s0 =	simm.s32 @!p0 $0x0  }
0x12: {  	s1 =	sld [smem:$0x3F9D];
	s0 =	simm.s32 @p0 $0x1  }
0x13: {  	[smem:$0x3FB8] =	sst s0;
	s0 =	simm.s32 @!p1 $0x0  }
0x14: {  	s2 =	sld [smem:$0x3F9C];
	s0 =	simm.s32 @p1 $0x1  }
0x15: {  	[smem:$0x3FB9] =	sst s0;
	s0 =	simm.s32 @!p2 $0x0  }
0x16: {  	s3 =	sld [smem:$0x3FDB];
	s0 =	simm.s32 @p2 $0x1  }
0x17: {  	s4 =	simm.s32 $0x1BF5;
	[smem:$0x3FBB] =	sst s0  }
0x18: {  	s0 =	sld [smem:$0x3F9E];
	_ =	swait.ge [sflag:s4], $0x0  }
0x19: {  	s7 =	sld [smem:$0x3F9F]  }
0x1a: {  	s8 =	sadd.s32 $0xFFFFE003, lr  }
0x1b: {  	s9 =	sadd.s32 $0xFFFFFEF7, lr;
	s5 =	simm.s32 $0xFFFFFFFF;
	p2 =	slt.u32 s8, $0xFFFFF086  }
0x1c: {  	p1 =	slt.u32 s9, $0xF7A;
	s5 =	simm.s32 @!p2 $0x0  }
0x1d: {  	s5 =	simm.s32 @p1 $0x1;
	p0 =	seq.s32 s7, s2  }
0x1e: {  	s7 =	smul.u32 @!p0 $0xF7A, s2;
	p2 =	seq.s32 @!p0 s5, $0x0  }
0x1f: {  	s9 =	smul.u32 $0xF7A, s1;
	s8 =	simm.s32 @!p0 $0x1BF5;
	p2 =	por !p2, p0  }
0x20: {  	[sflag:s8] =	ssyncset.s32 @!p0 $0xFFFFF086;
	s6 =	sadd.s32 @!p0 s3, s7;
	s7 =	simm.s32 @!p0 $0x108  }
0x21: {  	s3 =	sadd.s32 s3, s9;
	s6 =	sadd.s32 @!p0 $0x88, s6;
	s7 =	simm.s32 @p2 $0x1082  }
0x22: {  	[simem:s7], [sflag:s8] =	dma.local @!p0 [hbm:s6], $0xF7A  }
0x23: {  	s9 =	sor.u32 $0xD0000000, s2;
	s6 =	simm.s32 $0x108;
	_ =	swait.ge @!p0 [sflag:s8], $0x0  }
0x24: {  	s3 =	sadd.s32 $0x88, s3;
	s6 =	simm.s32 @!p1 $0x1082;
	[sflag:s4] =	ssyncset.s32 $0xFFFFF086  }
0x25: {  	[simem:s6], [sflag:s4] =	dma.local [hbm:s3], $0xF7A  }
0x26: {  	[smem:$0x3F9F] =	sst s1;
	(tag) =	ssettag s2;
	_ =	strace s9  }
0x27: {  	s1 =	sld [smem:$0x3FAF]  }
0x28: {  	s2 =	sld [smem:$0x3FB0]  }
0x29: {  	s4 =	sld [smem:$0x3FB2]  }
0x2a: {  	p0 =	seq.s32 s5, $0x0;
	s5 =	sld [smem:$0x3FB3]  }
0x2b: {  	s6 =	sld [smem:$0x3FB4]  }
0x2c: {  	s7 =	sld [smem:$0x3FB5]  }
0x2d: {  	s3 =	simm.s32 $0x108;
	s8 =	sld [smem:$0x3FB6]  }
0x2e: {  	s3 =	simm.s32 @!p0 $0x1082;
	s9 =	sld [smem:$0x3FB7]  }
0x2f: {  	lr =	sadd.s32 s0, s3;
	s0 =	sld [smem:$0x3FAE]  }
0x30: {  	s3 =	sld [smem:$0x3FB1]  }
0x31: {  	[smem:$0x3FBA] =	sst s10  }
0x32: {  	s10 =	sld [smem:$0x3FB8];
	_ =	sdelay $0x3  }
0x33: {  	p0 =	seq.s32 s10, $0x1;
	s10 =	sld [smem:$0x3FBA];
	_ =	sdelay $0x3  }
0x34: {  	[smem:$0x3FBA] =	sst s10  }
0x35: {  	s10 =	sld [smem:$0x3FB9];
	_ =	sdelay $0x3  }
0x36: {  	p1 =	seq.s32 s10, $0x1;
	s10 =	sld [smem:$0x3FBA];
	_ =	sdelay $0x3  }
0x37: {  	[smem:$0x3FBA] =	sst s10  }
0x38: {  	s10 =	sld [smem:$0x3FBB]  }
0x39: {  	_ = 	snop;
	(pc) =	sbr.ind lr, $3  }
0x3a: {  	_ = 	snop  }
0x3b: {  	_ = 	snop  }
0x3c: {  	p2 =	seq.s32 s10, $0x1;
	s10 =	sld [smem:$0x3FBA]  }
0x3d: {  	_ =	shalt  }
0x3e: {  	_ =	shalt  }
0x3f: {  	_ =	shalt  }
0x40: {  	_ =	shalt  }
0x41: {  	_ =	shalt  }
0x42: {  	_ =	shalt  }
0x43: {  	_ =	shalt  }
0x44: {  	_ =	shalt  }
0x45: {  	_ =	shalt  }
0x46: {  	_ =	shalt  }
0x47: {  	_ =	shalt  }
0x48: {  	_ =	shalt  }
0x49: {  	_ =	shalt  }
0x4a: {  	_ =	shalt  }
0x4b: {  	_ =	shalt  }
0x4c: {  	_ =	shalt  }
0x4d: {  	_ =	shalt  }
0x4e: {  	_ =	shalt  }
0x4f: {  	_ =	shalt  }
0x50: {  	_ =	shalt  }
0x51: {  	_ =	shalt  }
0x52: {  	_ =	shalt  }
0x53: {  	_ =	shalt  }
0x54: {  	_ =	shalt  }
0x55: {  	_ =	shalt  }
0x56: {  	_ =	shalt  }
0x57: {  	_ =	shalt  }
0x58: {  	_ =	shalt  }
0x59: {  	_ =	shalt  }
0x5a: {  	_ =	shalt  }
0x5b: {  	_ =	shalt  }
0x5c: {  	_ =	shalt  }
0x5d: {  	_ =	shalt  }
0x5e: {  	_ =	shalt  }
0x5f: {  	_ =	shalt  }
0x60: {  	_ =	shalt  }
0x61: {  	_ =	shalt  }
0x62: {  	_ =	shalt  }
0x63: {  	_ =	shalt  }
0x64: {  	_ =	shalt  }
0x65: {  	_ =	shalt  }
0x66: {  	_ =	shalt  }
0x67: {  	_ =	shalt  }
0x68: {  	_ =	shalt  }
0x69: {  	_ =	shalt  }
0x6a: {  	_ =	shalt  }
0x6b: {  	_ =	shalt  }
0x6c: {  	_ =	shalt  }
0x6d: {  	_ =	shalt  }
0x6e: {  	_ =	shalt  }
0x6f: {  	_ =	shalt  }
0x70: {  	_ =	shalt  }
0x71: {  	_ =	shalt  }
0x72: {  	_ =	shalt  }
0x73: {  	_ =	shalt  }
0x74: {  	_ =	shalt  }
0x75: {  	_ =	shalt  }
0x76: {  	_ =	shalt  }
0x77: {  	_ =	shalt  }
0x78: {  	_ =	shalt  }
0x79: {  	_ =	shalt  }
0x7a: {  	_ =	shalt  }
0x7b: {  	_ =	shalt  }
0x7c: {  	_ =	shalt  }
0x7d: {  	_ =	shalt  }
0x7e: {  	_ =	shalt  }
0x7f: {  	_ =	shalt  }
0x80: {  	_ =	shalt  }
0x81: {  	_ =	shalt  }
0x82: {  	_ =	shalt  }
0x83: {  	_ =	shalt  }
0x84: {  	_ =	shalt  }
0x85: {  	_ =	shalt  }
0x86: {  	_ =	shalt  }
0x87: {  	_ =	shalt  }
.Lfunc_end0:
.L_simem_size_0:
called_computation.1_lowered:
.L_overlay_start_0:
0x88: {  	s2 =	sld [smem:$0x3FD9]  }
0x89: {  	s3 =	sld [smem:$0x3FFE];
	_ =	sdelay $0x1  }
0x8a: {  	s1 =	srdreg.scid  }
0x8b: {  	s0 =	sand.u32 $0x1, s1  }
0x8c: {  	s17 =	sshll.u32 s0, $0xA;
	s2 =	sadd.s32 s3, s2  }
0x8d: {  	s2 =	sadd.s32 s2, s17  }
0x8e: {  	[smem:$0x3FC6] =	sst s2  }
0x8f: {  	_ = 	snop  }
0x90: {  	s2 =	sld [smem:$0x3FD0];
	(tm) =	ssettm $0x1  }
0x91: {  	s18 =	sld [smem:$0x3FFB];
	_ =	sdelay $0x3  }
0x92: {  	_ =	strace s18  }
0x93: {  	s3 =	sld [smem:$0x3FFC];
	_ =	sdelay $0x3  }
0x94: {  	_ =	strace s3  }
0x95: {  	s3 =	sld [smem:$0x3FFD];
	_ =	sdelay $0x3  }
0x96: {  	_ =	strace s3  }
0x97: {  	_ =	strace $0x8FFFFFFF  }
0x98: {  	s19 =	sld [smem:$0x3FDB];
	_ =	sdelay $0x1  }
0x99: {  	s4 =	simm.s32 $_scs_section_size  }
0x9a: {  	s5 =	simm.s32 $_size__tile_overlayer_lowered;
	s6 =	simm.s32 $_tile_overlayer_lowered  }
0x9b: {  	s22 =	simm.s32 $0x1BFF;
	s21 =	sshll.u32 s6, $0x1;
	s3 =	sadd.s32 s4, s19  }
0x9c: {  	s7 =	simm.s32 $0x0;
	s20 =	sshll.u32 s5, $0x1;
	s5 =	sadd.s32 s21, s3  }
0x9d: {  	[timem:s7], [sflag:s22] =	dma.local [hbm:s5], s20  }
0x9e: {  	_ =	swait.ge [sflag:s22], s20  }
0x9f: {  	s4 =	ssub.s32 $0x0, s20;
	[sflag:s22] =	ssyncset.done $0x0  }
0xa0: {  	[sflag:s22] =	ssyncadd.s32 s4;
	_ =	sdelay $0x1  }
0xa1: {  	s23 =	simm.s32 $0x1B8B  }
0xa2: {  	_ =	swait.ge [sflag:s23], $0x1  }
0xa3: {  	[sflag:s23] =	ssyncset.done $0x0  }
0xa4: {  	s25 =	simm.s32 $0x1B8E;
	s24 =	sld [smem:$0x3FFE];
	[sflag:s23] =	ssyncadd.s32 $0xFFFFFFFF  }
0xa5: {  	s26 =	simm.s32 $execute0_lowered;
	[smem:$0x3FD2] =	sst s25  }
0xa6: {  	s5 =	sshll.u32 s26, $0x1;
	_ =	strace $0x80000049;
	[dreg:$0x1] =	wrdreg $0xFFFFFFFF  }
0xa7: {  	s28 =	simm.s32 $_size_execute0_lowered;
	s3 =	sadd.s32 s3, s5;
	[dreg:$0x0] =	wrdreg $0x0  }
0xa8: {  	s5 =	sshll.u32 s28, $0x1;
	[dreg:$0x2] =	wrdreg s3  }
0xa9: {  	[dreg:$0x3] =	wrdreg s5  }
0xaa: {  	[dreg:$0x4] =	wrdreg $0xC0  }
0xab: {  	_ =	task [dreg:s7], $0x5FFFF  }
0xac: {  	[dreg:$0x1] =	wrdreg $0xFFFFFFFF  }
0xad: {  	[dreg:$0x0] =	wrdreg $0x60  }
0xae: {  	[dreg:$0x2] =	wrdreg s24  }
0xaf: {  	[dreg:$0x3] =	wrdreg s2  }
0xb0: {  	[dreg:$0x4] =	wrdreg $0x9  }
0xb1: {  	_ =	task.clear_ibuf [dreg:s7], $0x5FFFF;
	_ =	strace $0x90000049  }
0xb2: {  	s29 =	simm.s32 $0x9;
	_ =	strace $0x8000004B  }
0xb3: {  	_ =	swait.ge [sflag:s29], $0x1  }
0xb4: {  	[sflag:s29] =	ssyncadd.s32 $0xFFFFFFFF  }
0xb5: {  	_ =	strace $0x9000004B  }
0xb6: {  	_ =	sfence  }
0xb7: {  	s30 =	sld [smem:$0x0];
	_ =	sdelay $0x2  }
0xb8: {  	s31 =	sshll.u32 s1, $0xD;
	s1 =	sshrl.u32 s1, $0x2  }
0xb9: {  	s3 =	sand.u32 $0x4000, s31;
	s1 =	sadd.s32 s1, s30  }
0xba: {  	s0 =	sor.u32 s3, s0;
	s1 =	sshll.u32 s1, $0x11  }
0xbb: {  	s0 =	sor.u32 s1, s0  }
0xbc: {  	s0 =	sadd.s32 $0x8F2B, s0  }
0xbd: {  	[sflag:s0] =	ssyncadd.remote.s32 $0x1  }
0xbe: {  	_ =	sfence.sel $0xFFFF  }
0xbf: {  	[dreg:$0x0] =	wrdreg $0xFFFFFFFF;
	(pc) =	sbr.abs _section_cstart, $3  }
0xc0: {  	[dreg:$0x1] =	wrdreg $0xFFFFFFFF  }
0xc1: {  	_ =	task.clear_ibuf [dreg:s7], $0x2FFFF;
	_ =	strace $0x9FFFFFFF  }
0xc2: {  	(tm) =	ssettm $0x7FFFFFFF  }
0xc3: {  	_ =	shalt  }
tec
execute0_lowered:
.L_overlay_start_1:
0x0: {  	(tag) =	ssettag $0x1  }
0x1: {  	s14 =	rddreg [dreg:$0x0]  }
0x2: {  	s3 =	rddreg [dreg:$0x1];
	s1 =	srdreg.scid  }
0x3: {  	s0 =	rddreg [dreg:$0x2];
	s15 =	sand.u32 $0x1, s1  }
0x4: {  	s2 =	simm.s32 $0x0;
	s1 =	stileid.u32;
	s4 =	sshll.u32 s15, $0x6  }
0x5: {  	[smem:$0x7FF] =	sst s2;
	s5 =	sshll.u32 s1, $0x7;
	s3 =	sadd.s32 s3, s4  }
0x6: {  	_ =	strace $0x8000004A;
	s4 =	sadd.s32 s5, s3;
	s3 =	simm.s32 $0x2  }
0x7: {  	[tilespmem:s2], [sflag:$0x2] =	stream.linear.gather [hbm4b:s4+s2], $0x200, $0x38;
	[tilespmem:$0x10200] =	vst v63  }
0x8: {  	_ =	swait.ge [sflag:s3], $0x200  }
0x9: {  	s6 =	simm.s32 $0x80;
	[sflag:s3] =	ssyncset.done $0x0  }
0xa: {  	s7 =	simm.s32 $0x200;
	s5 =	sadd.s32 $0x41600, s14;
	[sflag:s3] =	ssyncadd.s32 $0xFFFFFE00  }
0xb: {  	[tilespmem:s7], [sflag:$0x1] =	stream.indirect.gather [hbm4b:s5+s6], $0x80, s2, s6, $0xb8;
	[tilespmem:$0x10200] =	vst v63  }
0xc: {  	s8 =	simm.s32 $0x4200  }
0xd: {  	[tilespmem:s8], [sflag:$0x1] =	stream.indirect.gather [hbm4b:s5+s6], $0x80, s6, s6, $0xb8;
	[tilespmem:$0x10200] =	vst v63  }
0xe: {  	s9 =	simm.s32 $0x100;
	s10 =	simm.s32 $0x8200  }
0xf: {  	[tilespmem:s10], [sflag:$0x1] =	stream.indirect.gather [hbm4b:s5+s6], $0x80, s9, s6, $0xb8;
	[tilespmem:$0x10200] =	vst v63  }
0x10: {  	s11 =	simm.s32 $0x180;
	s12 =	simm.s32 $0xC200;
	s13 =	simm.s32 $0x1  }
0x11: {  	[tilespmem:s12], [sflag:$0x1] =	stream.indirect.gather [hbm4b:s5+s6], $0x80, s11, s6, $0xb8;
	[tilespmem:$0x10200] =	vst v63  }
0x12: {  	_ =	swait.ge [sflag:s13], $0x4000  }
0x13: {  	[sflag:s13] =	ssyncset.done $0x0  }
0x14: {  	[sflag:s13] =	ssyncadd.s32 $0xFFFFC000  }
0x15: {  	_ =	swait.ge [sflag:s13], $0x4000  }
0x16: {  	[sflag:s13] =	ssyncset.done $0x0  }
0x17: {  	s16 =	sshll.u32 s15, $0xD;
	s15 =	ssub.s32 $0x2, s15;
	[sflag:s13] =	ssyncadd.s32 $0xFFFFC000  }
0x18: {  	s31 =	sshrl.u32 s15, $0x1;
	_ =	swait.ge [sflag:s13], $0x4000  }
0x19: {  	s15 =	ssub.s32 s15, s31;
	[sflag:s13] =	ssyncset.done $0x0  }
0x1a: {  	s17 =	sshll.u32 s1, $0xE;
	s15 =	smax.u32 s15, $0x1;
	[sflag:s13] =	ssyncadd.s32 $0xFFFFC000  }
0x1b: {  	s14 =	sadd.s32 s16, s14;
	p0 =	sne.s32 s15, $0x1;
	_ =	swait.ge [sflag:s13], $0x4000  }
.Ltmp0:
0x1c: {  	s14 =	sadd.s32 s17, s14;
	[sflag:s13] =	ssyncset.done $0x0;
	(pc) =	sbr.rel @!p0 .LBB2_2-.Ltmp0, $4  }
0x1d: {  	s14 =	sadd.s32 $0x61600, s14;
	[sflag:s13] =	ssyncadd.s32 $0xFFFFC000  }
0x1e: {  	[hbm4b:s14+s2] =	stream.linear.scatter [tilespmem:s7], [sflag:$0x2], $0x10000, $0x38;
	[tilespmem:$0x10200] =	vst v63  }
0x1f: {  	_ =	swait.ge [sflag:s3], $0x10000  }
0x20: {  	s15 =	sadd.s32 $0xFFFFFFFF, s15;
	[sflag:s3] =	ssyncset.done $0x0  }
.LBB2_1:
0x21: {  	p0 =	sne.s32 s15, $0x1;
	s15 =	sadd.s32 $0xFFFFFFFF, s15;
	[sflag:s3] =	ssyncadd.s32 $0xFFFF0000  }
0x22: {  	[tilespmem:s2], [sflag:$0x2] =	stream.linear.gather [hbm4b:s4+s2], $0x200, $0x38;
	[tilespmem:$0x10200] =	vst v63  }
0x23: {  	_ =	swait.ge [sflag:s3], $0x200  }
0x24: {  	[sflag:s3] =	ssyncset.done $0x0  }
0x25: {  	[sflag:s3] =	ssyncadd.s32 $0xFFFFFE00  }
0x26: {  	[tilespmem:s7], [sflag:$0x1] =	stream.indirect.gather [hbm4b:s5+s6], $0x80, s2, s6, $0xb8;
	[tilespmem:$0x10200] =	vst v63  }
0x27: {  	_ = 	snop  }
0x28: {  	[tilespmem:s8], [sflag:$0x1] =	stream.indirect.gather [hbm4b:s5+s6], $0x80, s6, s6, $0xb8;
	[tilespmem:$0x10200] =	vst v63  }
0x29: {  	_ = 	snop  }
0x2a: {  	[tilespmem:s10], [sflag:$0x1] =	stream.indirect.gather [hbm4b:s5+s6], $0x80, s9, s6, $0xb8;
	[tilespmem:$0x10200] =	vst v63  }
0x2b: {  	_ = 	snop  }
0x2c: {  	[tilespmem:s12], [sflag:$0x1] =	stream.indirect.gather [hbm4b:s5+s6], $0x80, s11, s6, $0xb8;
	[tilespmem:$0x10200] =	vst v63  }
0x2d: {  	_ =	swait.ge [sflag:s13], $0x4000  }
0x2e: {  	[sflag:s13] =	ssyncset.done $0x0  }
0x2f: {  	[sflag:s13] =	ssyncadd.s32 $0xFFFFC000  }
0x30: {  	_ =	swait.ge [sflag:s13], $0x4000  }
0x31: {  	[sflag:s13] =	ssyncset.done $0x0  }
0x32: {  	[sflag:s13] =	ssyncadd.s32 $0xFFFFC000  }
0x33: {  	_ =	swait.ge [sflag:s13], $0x4000  }
0x34: {  	[sflag:s13] =	ssyncset.done $0x0  }
0x35: {  	[sflag:s13] =	ssyncadd.s32 $0xFFFFC000  }
0x36: {  	_ =	swait.ge [sflag:s13], $0x4000  }
.Ltmp1:
0x37: {  	[sflag:s13] =	ssyncset.done $0x0;
	(pc) =	sbr.rel @p0 .LBB2_1-.Ltmp1, $4  }
0x38: {  	[sflag:s13] =	ssyncadd.s32 $0xFFFFC000  }
0x39: {  	[hbm4b:s14+s2] =	stream.linear.scatter [tilespmem:s7], [sflag:$0x2], $0x10000, $0x38;
	[tilespmem:$0x10200] =	vst v63  }
0x3a: {  	_ =	swait.ge [sflag:s3], $0x10000  }
0x3b: {  	[sflag:s3] =	ssyncset.done $0x0  }
.LBB2_2:
0x3c: {  	[sflag:s3] =	ssyncadd.s32 $0xFFFF0000  }
0x3d: {  	_ =	sfence.sel $0x180000  }
0x3e: {  	[bflag:$0x0] =	sbarrier.arrive $0xFFFF  }
0x3f: {  	p0 =	sne.s32 s1, $0x0;
	_ =	strace $0x9000004A  }
0x40: {  	s0 =	sadd.s32 @!p0 $0x100000, s0;
	[bflag:$0x2] =	sbarrier.arrive $0xFFFF  }
0x41: {  	[sflag:s0] =	ssyncadd.tile.s32 @!p0 $0x1;
	_ =	shalt  }
.Lfunc_end2:
_tile_overlayer_lowered:
.L_overlay_start_2:
0x42: {  	(tag) =	ssettag $0x2  }
0x43: {  	s0 =	rddreg [dreg:$0x0];
	s2 =	stileid.u32  }
0x44: {  	s1 =	rddreg [dreg:$0x1];
	p0 =	sne.s32 s2, $0x0  }
0x45: {  	s3 =	rddreg [dreg:$0x2];
	[bflag:$0x3] =	sbarrier.arrive $0xFFFF;
	s2 =	simm.s32 @!p0 $0x1C02  }
0x46: {  	[timem:s3], [sflag:s2] =	dma.local @!p0 [hbm:s0], s1  }
0x47: {  	s0 =	simm.s32 @!p0 $0x2  }
0x48: {  	_ =	swait.ge @!p0 [sflag:s0], s1  }
0x49: {  	s1 =	ssub.s32 @!p0 $0x0, s1;
	[sflag:s0] =	ssyncset.done @!p0 $0x0  }
0x4a: {  	[sflag:s0] =	ssyncadd.s32 @!p0 s1  }
0x4b: {  	[bflag:$0x3] =	sbarrier.arrive $0xFFFF  }
0x4c: {  	_ =	shalt  }

// kernel: kernel.7.cloned.1.call-start
scs
__scs_entry_jumppad:
0x0: {  	(pc) =	sbr.rel $0x88, $3  }
0x1: {  	(tag) =	ssettag $0x0;
	lr =	simm.s32 $0x1  }
0x2: {  	[smem:$0x3F9F] =	sst lr;
	_ =	strace $0xD0000000  }
0x3: {  	_ = 	snop  }
0x4: {  	_ = 	snop  }
0x5: {  	_ = 	snop  }
0x6: {  	_ = 	snop  }
0x7: {  	_ = 	snop  }
__scs_overlays_trampoline_lowered:
0x8: {  	[smem:$0x3FAE] =	sst s0  }
0x9: {  	[smem:$0x3FAF] =	sst s1  }
0xa: {  	[smem:$0x3FB0] =	sst s2  }
0xb: {  	[smem:$0x3FB1] =	sst s3  }
0xc: {  	[smem:$0x3FB2] =	sst s4  }
0xd: {  	[smem:$0x3FB3] =	sst s5  }
0xe: {  	[smem:$0x3FB4] =	sst s6  }
0xf: {  	[smem:$0x3FB5] =	sst s7  }
0x10: {  	[smem:$0x3FB6] =	sst s8  }
0x11: {  	[smem:$0x3FB7] =	sst s9;
	s0 =	simm.s32 @!p0 $0x0  }
0x12: {  	s1 =	sld [smem:$0x3F9D];
	s0 =	simm.s32 @p0 $0x1  }
0x13: {  	[smem:$0x3FB8] =	sst s0;
	s0 =	simm.s32 @!p1 $0x0  }
0x14: {  	s2 =	sld [smem:$0x3F9C];
	s0 =	simm.s32 @p1 $0x1  }
0x15: {  	[smem:$0x3FB9] =	sst s0;
	s0 =	simm.s32 @!p2 $0x0  }
0x16: {  	s3 =	sld [smem:$0x3FDB];
	s0 =	simm.s32 @p2 $0x1  }
0x17: {  	s4 =	simm.s32 $0x1BF5;
	[smem:$0x3FBB] =	sst s0  }
0x18: {  	s0 =	sld [smem:$0x3F9E];
	_ =	swait.ge [sflag:s4], $0x0  }
0x19: {  	s7 =	sld [smem:$0x3F9F]  }
0x1a: {  	s8 =	sadd.s32 $0xFFFFE003, lr  }
0x1b: {  	s9 =	sadd.s32 $0xFFFFFEF7, lr;
	s5 =	simm.s32 $0xFFFFFFFF;
	p2 =	slt.u32 s8, $0xFFFFF086  }
0x1c: {  	p1 =	slt.u32 s9, $0xF7A;
	s5 =	simm.s32 @!p2 $0x0  }
0x1d: {  	s5 =	simm.s32 @p1 $0x1;
	p0 =	seq.s32 s7, s2  }
0x1e: {  	s7 =	smul.u32 @!p0 $0xF7A, s2;
	p2 =	seq.s32 @!p0 s5, $0x0  }
0x1f: {  	s9 =	smul.u32 $0xF7A, s1;
	s8 =	simm.s32 @!p0 $0x1BF5;
	p2 =	por !p2, p0  }
0x20: {  	[sflag:s8] =	ssyncset.s32 @!p0 $0xFFFFF086;
	s6 =	sadd.s32 @!p0 s3, s7;
	s7 =	simm.s32 @!p0 $0x108  }
0x21: {  	s3 =	sadd.s32 s3, s9;
	s6 =	sadd.s32 @!p0 $0x88, s6;
	s7 =	simm.s32 @p2 $0x1082  }
0x22: {  	[simem:s7], [sflag:s8] =	dma.local @!p0 [hbm:s6], $0xF7A  }
0x23: {  	s9 =	sor.u32 $0xD0000000, s2;
	s6 =	simm.s32 $0x108;
	_ =	swait.ge @!p0 [sflag:s8], $0x0  }
0x24: {  	s3 =	sadd.s32 $0x88, s3;
	s6 =	simm.s32 @!p1 $0x1082;
	[sflag:s4] =	ssyncset.s32 $0xFFFFF086  }
0x25: {  	[simem:s6], [sflag:s4] =	dma.local [hbm:s3], $0xF7A  }
0x26: {  	[smem:$0x3F9F] =	sst s1;
	(tag) =	ssettag s2;
	_ =	strace s9  }
0x27: {  	s1 =	sld [smem:$0x3FAF]  }
0x28: {  	s2 =	sld [smem:$0x3FB0]  }
0x29: {  	s4 =	sld [smem:$0x3FB2]  }
0x2a: {  	p0 =	seq.s32 s5, $0x0;
	s5 =	sld [smem:$0x3FB3]  }
0x2b: {  	s6 =	sld [smem:$0x3FB4]  }
0x2c: {  	s7 =	sld [smem:$0x3FB5]  }
0x2d: {  	s3 =	simm.s32 $0x108;
	s8 =	sld [smem:$0x3FB6]  }
0x2e: {  	s3 =	simm.s32 @!p0 $0x1082;
	s9 =	sld [smem:$0x3FB7]  }
0x2f: {  	lr =	sadd.s32 s0, s3;
	s0 =	sld [smem:$0x3FAE]  }
0x30: {  	s3 =	sld [smem:$0x3FB1]  }
0x31: {  	[smem:$0x3FBA] =	sst s10  }
0x32: {  	s10 =	sld [smem:$0x3FB8];
	_ =	sdelay $0x3  }
0x33: {  	p0 =	seq.s32 s10, $0x1;
	s10 =	sld [smem:$0x3FBA];
	_ =	sdelay $0x3  }
0x34: {  	[smem:$0x3FBA] =	sst s10  }
0x35: {  	s10 =	sld [smem:$0x3FB9];
	_ =	sdelay $0x3  }
0x36: {  	p1 =	seq.s32 s10, $0x1;
	s10 =	sld [smem:$0x3FBA];
	_ =	sdelay $0x3  }
0x37: {  	[smem:$0x3FBA] =	sst s10  }
0x38: {  	s10 =	sld [smem:$0x3FBB]  }
0x39: {  	_ = 	snop;
	(pc) =	sbr.ind lr, $3  }
0x3a: {  	_ = 	snop  }
0x3b: {  	_ = 	snop  }
0x3c: {  	p2 =	seq.s32 s10, $0x1;
	s10 =	sld [smem:$0x3FBA]  }
0x3d: {  	_ =	shalt  }
0x3e: {  	_ =	shalt  }
0x3f: {  	_ =	shalt  }
0x40: {  	_ =	shalt  }
0x41: {  	_ =	shalt  }
0x42: {  	_ =	shalt  }
0x43: {  	_ =	shalt  }
0x44: {  	_ =	shalt  }
0x45: {  	_ =	shalt  }
0x46: {  	_ =	shalt  }
0x47: {  	_ =	shalt  }
0x48: {  	_ =	shalt  }
0x49: {  	_ =	shalt  }
0x4a: {  	_ =	shalt  }
0x4b: {  	_ =	shalt  }
0x4c: {  	_ =	shalt  }
0x4d: {  	_ =	shalt  }
0x4e: {  	_ =	shalt  }
0x4f: {  	_ =	shalt  }
0x50: {  	_ =	shalt  }
0x51: {  	_ =	shalt  }
0x52: {  	_ =	shalt  }
0x53: {  	_ =	shalt  }
0x54: {  	_ =	shalt  }
0x55: {  	_ =	shalt  }
0x56: {  	_ =	shalt  }
0x57: {  	_ =	shalt  }
0x58: {  	_ =	shalt  }
0x59: {  	_ =	shalt  }
0x5a: {  	_ =	shalt  }
0x5b: {  	_ =	shalt  }
0x5c: {  	_ =	shalt  }
0x5d: {  	_ =	shalt  }
0x5e: {  	_ =	shalt  }
0x5f: {  	_ =	shalt  }
0x60: {  	_ =	shalt  }
0x61: {  	_ =	shalt  }
0x62: {  	_ =	shalt  }
0x63: {  	_ =	shalt  }
0x64: {  	_ =	shalt  }
0x65: {  	_ =	shalt  }
0x66: {  	_ =	shalt  }
0x67: {  	_ =	shalt  }
0x68: {  	_ =	shalt  }
0x69: {  	_ =	shalt  }
0x6a: {  	_ =	shalt  }
0x6b: {  	_ =	shalt  }
0x6c: {  	_ =	shalt  }
0x6d: {  	_ =	shalt  }
0x6e: {  	_ =	shalt  }
0x6f: {  	_ =	shalt  }
0x70: {  	_ =	shalt  }
0x71: {  	_ =	shalt  }
0x72: {  	_ =	shalt  }
0x73: {  	_ =	shalt  }
0x74: {  	_ =	shalt  }
0x75: {  	_ =	shalt  }
0x76: {  	_ =	shalt  }
0x77: {  	_ =	shalt  }
0x78: {  	_ =	shalt  }
0x79: {  	_ =	shalt  }
0x7a: {  	_ =	shalt  }
0x7b: {  	_ =	shalt  }
0x7c: {  	_ =	shalt  }
0x7d: {  	_ =	shalt  }
0x7e: {  	_ =	shalt  }
0x7f: {  	_ =	shalt  }
0x80: {  	_ =	shalt  }
0x81: {  	_ =	shalt  }
0x82: {  	_ =	shalt  }
0x83: {  	_ =	shalt  }
0x84: {  	_ =	shalt  }
0x85: {  	_ =	shalt  }
0x86: {  	_ =	shalt  }
0x87: {  	_ =	shalt  }
.Lfunc_end0:
.L_simem_size_0:
called_computation_lowered:
.L_overlay_start_0:
0x88: {  	s2 =	sld [smem:$0x3FD9]  }
0x89: {  	s3 =	sld [smem:$0x3FFE];
	_ =	sdelay $0x1  }
0x8a: {  	s1 =	srdreg.scid  }
0x8b: {  	s0 =	sand.u32 $0x1, s1  }
0x8c: {  	s17 =	sshll.u32 s0, $0xA;
	s2 =	sadd.s32 s3, s2  }
0x8d: {  	s2 =	sadd.s32 s2, s17  }
0x8e: {  	[smem:$0x3FC6] =	sst s2  }
0x8f: {  	_ = 	snop  }
0x90: {  	s2 =	sld [smem:$0x3FD0];
	(tm) =	ssettm $0x1  }
0x91: {  	s18 =	sld [smem:$0x3FFB];
	_ =	sdelay $0x3  }
0x92: {  	_ =	strace s18  }
0x93: {  	s3 =	sld [smem:$0x3FFC];
	_ =	sdelay $0x3  }
0x94: {  	_ =	strace s3  }
0x95: {  	s3 =	sld [smem:$0x3FFD];
	_ =	sdelay $0x3  }
0x96: {  	_ =	strace s3  }
0x97: {  	_ =	strace $0x8FFFFFFF  }
0x98: {  	s19 =	sld [smem:$0x3FDB];
	_ =	sdelay $0x1  }
0x99: {  	s4 =	simm.s32 $_scs_section_size  }
0x9a: {  	s5 =	simm.s32 $_size__tile_overlayer_lowered;
	s6 =	simm.s32 $_tile_overlayer_lowered  }
0x9b: {  	s22 =	simm.s32 $0x1BFF;
	s21 =	sshll.u32 s6, $0x1;
	s3 =	sadd.s32 s4, s19  }
0x9c: {  	s7 =	simm.s32 $0x0;
	s20 =	sshll.u32 s5, $0x1;
	s5 =	sadd.s32 s21, s3  }
0x9d: {  	[timem:s7], [sflag:s22] =	dma.local [hbm:s5], s20  }
0x9e: {  	_ =	swait.ge [sflag:s22], s20  }
0x9f: {  	s4 =	ssub.s32 $0x0, s20;
	[sflag:s22] =	ssyncset.done $0x0  }
0xa0: {  	[sflag:s22] =	ssyncadd.s32 s4;
	_ =	sdelay $0x1  }
0xa1: {  	s23 =	simm.s32 $0x1B8B  }
0xa2: {  	_ =	swait.ge [sflag:s23], $0x1  }
0xa3: {  	[sflag:s23] =	ssyncset.done $0x0  }
0xa4: {  	s25 =	simm.s32 $0x1B8E;
	s24 =	sld [smem:$0x3FFE];
	[sflag:s23] =	ssyncadd.s32 $0xFFFFFFFF  }
0xa5: {  	s26 =	simm.s32 $execute0_lowered;
	[smem:$0x3FD2] =	sst s25  }
0xa6: {  	s5 =	sshll.u32 s26, $0x1;
	_ =	strace $0x80000046;
	[dreg:$0x1] =	wrdreg $0xFFFFFFFF  }
0xa7: {  	s28 =	simm.s32 $_size_execute0_lowered;
	s3 =	sadd.s32 s3, s5;
	[dreg:$0x0] =	wrdreg $0x0  }
0xa8: {  	s5 =	sshll.u32 s28, $0x1;
	[dreg:$0x2] =	wrdreg s3  }
0xa9: {  	[dreg:$0x3] =	wrdreg s5  }
0xaa: {  	[dreg:$0x4] =	wrdreg $0xC0  }
0xab: {  	_ =	task [dreg:s7], $0x5FFFF  }
0xac: {  	[dreg:$0x1] =	wrdreg $0xFFFFFFFF  }
0xad: {  	[dreg:$0x0] =	wrdreg $0x60  }
0xae: {  	[dreg:$0x2] =	wrdreg s24  }
0xaf: {  	[dreg:$0x3] =	wrdreg s2  }
0xb0: {  	[dreg:$0x4] =	wrdreg $0x9  }
0xb1: {  	_ =	task.clear_ibuf [dreg:s7], $0x5FFFF;
	_ =	strace $0x90000046  }
0xb2: {  	s29 =	simm.s32 $0x9;
	_ =	strace $0x80000048  }
0xb3: {  	_ =	swait.ge [sflag:s29], $0x1  }
0xb4: {  	[sflag:s29] =	ssyncadd.s32 $0xFFFFFFFF  }
0xb5: {  	_ =	strace $0x90000048  }
0xb6: {  	_ =	sfence  }
0xb7: {  	s30 =	sld [smem:$0x0];
	_ =	sdelay $0x2  }
0xb8: {  	s31 =	sshll.u32 s1, $0xD;
	s1 =	sshrl.u32 s1, $0x2  }
0xb9: {  	s3 =	sand.u32 $0x4000, s31;
	s1 =	sadd.s32 s1, s30  }
0xba: {  	s0 =	sor.u32 s3, s0;
	s1 =	sshll.u32 s1, $0x11  }
0xbb: {  	s0 =	sor.u32 s1, s0  }
0xbc: {  	s0 =	sadd.s32 $0x8F2B, s0  }
0xbd: {  	[sflag:s0] =	ssyncadd.remote.s32 $0x1  }
0xbe: {  	_ =	sfence.sel $0xFFFF  }
0xbf: {  	[dreg:$0x0] =	wrdreg $0xFFFFFFFF;
	(pc) =	sbr.abs _section_cstart, $3  }
0xc0: {  	[dreg:$0x1] =	wrdreg $0xFFFFFFFF  }
0xc1: {  	_ =	task.clear_ibuf [dreg:s7], $0x2FFFF;
	_ =	strace $0x9FFFFFFF  }
0xc2: {  	(tm) =	ssettm $0x7FFFFFFF  }
0xc3: {  	_ =	shalt  }
tec
execute0_lowered:
.L_overlay_start_1:
0x0: {  	(tag) =	ssettag $0x1  }
0x1: {  	s14 =	rddreg [dreg:$0x0]  }
0x2: {  	s3 =	rddreg [dreg:$0x1];
	s1 =	srdreg.scid  }
0x3: {  	s0 =	rddreg [dreg:$0x2];
	s15 =	sand.u32 $0x1, s1  }
0x4: {  	s2 =	simm.s32 $0x0;
	s1 =	stileid.u32;
	s4 =	sshll.u32 s15, $0x6  }
0x5: {  	[smem:$0x7FF] =	sst s2;
	s5 =	sshll.u32 s1, $0x7;
	s3 =	sadd.s32 s3, s4  }
0x6: {  	_ =	strace $0x80000047;
	s4 =	sadd.s32 s5, s3;
	s3 =	simm.s32 $0x2  }
0x7: {  	[tilespmem:s2], [sflag:$0x2] =	stream.linear.gather [hbm4b:s4+s2], $0x200, $0x38;
	[tilespmem:$0x10200] =	vst v63  }
0x8: {  	_ =	swait.ge [sflag:s3], $0x200  }
0x9: {  	s6 =	simm.s32 $0x80;
	[sflag:s3] =	ssyncset.done $0x0  }
0xa: {  	s7 =	simm.s32 $0x200;
	s5 =	sadd.s32 $0x41600, s14;
	[sflag:s3] =	ssyncadd.s32 $0xFFFFFE00  }
0xb: {  	[tilespmem:s7], [sflag:$0x1] =	stream.indirect.gather [hbm4b:s5+s6], $0x80, s2, s6, $0xb8;
	[tilespmem:$0x10200] =	vst v63  }
0xc: {  	s8 =	simm.s32 $0x4200  }
0xd: {  	[tilespmem:s8], [sflag:$0x1] =	stream.indirect.gather [hbm4b:s5+s6], $0x80, s6, s6, $0xb8;
	[tilespmem:$0x10200] =	vst v63  }
0xe: {  	s9 =	simm.s32 $0x100;
	s10 =	simm.s32 $0x8200  }
0xf: {  	[tilespmem:s10], [sflag:$0x1] =	stream.indirect.gather [hbm4b:s5+s6], $0x80, s9, s6, $0xb8;
	[tilespmem:$0x10200] =	vst v63  }
0x10: {  	s11 =	simm.s32 $0x180;
	s12 =	simm.s32 $0xC200;
	s13 =	simm.s32 $0x1  }
0x11: {  	[tilespmem:s12], [sflag:$0x1] =	stream.indirect.gather [hbm4b:s5+s6], $0x80, s11, s6, $0xb8;
	[tilespmem:$0x10200] =	vst v63  }
0x12: {  	_ =	swait.ge [sflag:s13], $0x4000  }
0x13: {  	[sflag:s13] =	ssyncset.done $0x0  }
0x14: {  	[sflag:s13] =	ssyncadd.s32 $0xFFFFC000  }
0x15: {  	_ =	swait.ge [sflag:s13], $0x4000  }
0x16: {  	[sflag:s13] =	ssyncset.done $0x0  }
0x17: {  	s16 =	sshll.u32 s15, $0xD;
	s15 =	ssub.s32 $0x2, s15;
	[sflag:s13] =	ssyncadd.s32 $0xFFFFC000  }
0x18: {  	s31 =	sshrl.u32 s15, $0x1;
	_ =	swait.ge [sflag:s13], $0x4000  }
0x19: {  	s15 =	ssub.s32 s15, s31;
	[sflag:s13] =	ssyncset.done $0x0  }
0x1a: {  	s17 =	sshll.u32 s1, $0xE;
	s15 =	smax.u32 s15, $0x1;
	[sflag:s13] =	ssyncadd.s32 $0xFFFFC000  }
0x1b: {  	s14 =	sadd.s32 s16, s14;
	p0 =	sne.s32 s15, $0x1;
	_ =	swait.ge [sflag:s13], $0x4000  }
.Ltmp0:
0x1c: {  	s14 =	sadd.s32 s17, s14;
	[sflag:s13] =	ssyncset.done $0x0;
	(pc) =	sbr.rel @!p0 .LBB2_2-.Ltmp0, $4  }
0x1d: {  	s14 =	sadd.s32 $0x61600, s14;
	[sflag:s13] =	ssyncadd.s32 $0xFFFFC000  }
0x1e: {  	[hbm4b:s14+s2] =	stream.linear.scatter [tilespmem:s7], [sflag:$0x2], $0x10000, $0x38;
	[tilespmem:$0x10200] =	vst v63  }
0x1f: {  	_ =	swait.ge [sflag:s3], $0x10000  }
0x20: {  	s15 =	sadd.s32 $0xFFFFFFFF, s15;
	[sflag:s3] =	ssyncset.done $0x0  }
.LBB2_1:
0x21: {  	p0 =	sne.s32 s15, $0x1;
	s15 =	sadd.s32 $0xFFFFFFFF, s15;
	[sflag:s3] =	ssyncadd.s32 $0xFFFF0000  }
0x22: {  	[tilespmem:s2], [sflag:$0x2] =	stream.linear.gather [hbm4b:s4+s2], $0x200, $0x38;
	[tilespmem:$0x10200] =	vst v63  }
0x23: {  	_ =	swait.ge [sflag:s3], $0x200  }
0x24: {  	[sflag:s3] =	ssyncset.done $0x0  }
0x25: {  	[sflag:s3] =	ssyncadd.s32 $0xFFFFFE00  }
0x26: {  	[tilespmem:s7], [sflag:$0x1] =	stream.indirect.gather [hbm4b:s5+s6], $0x80, s2, s6, $0xb8;
	[tilespmem:$0x10200] =	vst v63  }
0x27: {  	_ = 	snop  }
0x28: {  	[tilespmem:s8], [sflag:$0x1] =	stream.indirect.gather [hbm4b:s5+s6], $0x80, s6, s6, $0xb8;
	[tilespmem:$0x10200] =	vst v63  }
0x29: {  	_ = 	snop  }
0x2a: {  	[tilespmem:s10], [sflag:$0x1] =	stream.indirect.gather [hbm4b:s5+s6], $0x80, s9, s6, $0xb8;
	[tilespmem:$0x10200] =	vst v63  }
0x2b: {  	_ = 	snop  }
0x2c: {  	[tilespmem:s12], [sflag:$0x1] =	stream.indirect.gather [hbm4b:s5+s6], $0x80, s11, s6, $0xb8;
	[tilespmem:$0x10200] =	vst v63  }
0x2d: {  	_ =	swait.ge [sflag:s13], $0x4000  }
0x2e: {  	[sflag:s13] =	ssyncset.done $0x0  }
0x2f: {  	[sflag:s13] =	ssyncadd.s32 $0xFFFFC000  }
0x30: {  	_ =	swait.ge [sflag:s13], $0x4000  }
0x31: {  	[sflag:s13] =	ssyncset.done $0x0  }
0x32: {  	[sflag:s13] =	ssyncadd.s32 $0xFFFFC000  }
0x33: {  	_ =	swait.ge [sflag:s13], $0x4000  }
0x34: {  	[sflag:s13] =	ssyncset.done $0x0  }
0x35: {  	[sflag:s13] =	ssyncadd.s32 $0xFFFFC000  }
0x36: {  	_ =	swait.ge [sflag:s13], $0x4000  }
.Ltmp1:
0x37: {  	[sflag:s13] =	ssyncset.done $0x0;
	(pc) =	sbr.rel @p0 .LBB2_1-.Ltmp1, $4  }
0x38: {  	[sflag:s13] =	ssyncadd.s32 $0xFFFFC000  }
0x39: {  	[hbm4b:s14+s2] =	stream.linear.scatter [tilespmem:s7], [sflag:$0x2], $0x10000, $0x38;
	[tilespmem:$0x10200] =	vst v63  }
0x3a: {  	_ =	swait.ge [sflag:s3], $0x10000  }
0x3b: {  	[sflag:s3] =	ssyncset.done $0x0  }
.LBB2_2:
0x3c: {  	[sflag:s3] =	ssyncadd.s32 $0xFFFF0000  }
0x3d: {  	_ =	sfence.sel $0x180000  }
0x3e: {  	[bflag:$0x0] =	sbarrier.arrive $0xFFFF  }
0x3f: {  	p0 =	sne.s32 s1, $0x0;
	_ =	strace $0x90000047  }
0x40: {  	s0 =	sadd.s32 @!p0 $0x100000, s0;
	[bflag:$0x2] =	sbarrier.arrive $0xFFFF  }
0x41: {  	[sflag:s0] =	ssyncadd.tile.s32 @!p0 $0x1;
	_ =	shalt  }
.Lfunc_end2:
_tile_overlayer_lowered:
.L_overlay_start_2:
0x42: {  	(tag) =	ssettag $0x2  }
0x43: {  	s0 =	rddreg [dreg:$0x0];
	s2 =	stileid.u32  }
0x44: {  	s1 =	rddreg [dreg:$0x1];
	p0 =	sne.s32 s2, $0x0  }
0x45: {  	s3 =	rddreg [dreg:$0x2];
	[bflag:$0x3] =	sbarrier.arrive $0xFFFF;
	s2 =	simm.s32 @!p0 $0x1C02  }
0x46: {  	[timem:s3], [sflag:s2] =	dma.local @!p0 [hbm:s0], s1  }
0x47: {  	s0 =	simm.s32 @!p0 $0x2  }
0x48: {  	_ =	swait.ge @!p0 [sflag:s0], s1  }
0x49: {  	s1 =	ssub.s32 @!p0 $0x0, s1;
	[sflag:s0] =	ssyncset.done @!p0 $0x0  }
0x4a: {  	[sflag:s0] =	ssyncadd.s32 @!p0 s1  }
0x4b: {  	[bflag:$0x3] =	sbarrier.arrive $0xFFFF  }
0x4c: {  	_ =	shalt  }

</sc_bundles>
